<compile_context>
chip_gen: v7x
topology: tpu7x:2x2x1
jax: 0.10.2.dev20260603
libtpu: 0.0.44.dev20260713+nightly
codegen_flags: <defaults>
</compile_context>

<pallas_src>
import numpy as np
import jax
import jax.numpy as jnp
from jax import lax
from jax.experimental import pallas as pl
from jax.experimental.pallas import tpu as pltpu
from jax.experimental.pallas import tpu_sc as plsc

_GRID = 16
_KDIM = 384
_EPS1000 = np.float32(1000.0 * np.finfo(np.float32).eps)
_SEG = 2048
_CH = 1024
_V = 16


def _sc_prep(xs_hbm, ys_hbm, sfpx_hbm, facx_hbm, sfpy_hbm, facy_hbm, rks_hbm,
             col_v, sfp_v, fac_v, rks_v):
    wid = lax.axis_index("s") * 2 + lax.axis_index("c")
    b = wid // 2
    is_x = (wid % 2) == 0
    base = b * _SEG

    @pl.when(is_x)
    def _():
        pltpu.sync_copy(xs_hbm.at[pl.ds(base, _SEG)], col_v)

    @pl.when(jnp.logical_not(is_x))
    def _():
        pltpu.sync_copy(ys_hbm.at[pl.ds(base, _SEG)], col_v)

    def mx_body(i, acc):
        return jnp.maximum(acc, col_v[pl.ds(i * _V, _V)])
    mx = lax.fori_loop(0, _SEG // _V, mx_body, jnp.full((_V,), -1, jnp.int32))

    hv = jnp.broadcast_to(lax.reduce_max(mx, (0,)), (_V,)).astype(jnp.float32) + 1.0
    inv = jnp.full((_V,), jnp.float32(_GRID)) / hv
    ks = jnp.maximum(inv, 1.0)
    rks = jnp.full((_V,), jnp.float32(1.0)) / ks

    def finish(sf, sfp, tot, i):
        safe = jnp.where(tot != 0.0, tot, 1.0)
        fac = jnp.where(jnp.abs(tot) > _EPS1000, jnp.full((_V,), jnp.float32(1.0)) / safe, 0.0)
        inb = jnp.logical_and(sf >= -0.5, sf <= jnp.float32(_GRID) - 0.5)
        fac = jnp.where(inb, fac, 0.0)
        sfp_v[pl.ds(i * _V, _V)] = sfp
        fac_v[pl.ds(i * _V, _V)] = fac

    is_up = lax.reduce_max(ks, (0,)) <= 1.0

    @pl.when(is_up)
    def _():
        def tok_fast(i, carry):
            c = col_v[pl.ds(i * _V, _V)].astype(jnp.float32)
            sf = (c + 0.5) * inv - 0.5
            tot = jnp.minimum(jnp.minimum(1.0 + sf, jnp.float32(_GRID) - sf), 1.0)
            finish(sf, sf * rks, tot, i)
            return carry
        lax.fori_loop(0, _SEG // _V, tok_fast, 0)

    @pl.when(jnp.logical_not(is_up))
    def _():
        def tok_body(i, carry):
            c = col_v[pl.ds(i * _V, _V)].astype(jnp.float32)
            sf = (c + 0.5) * inv - 0.5
            sfp = sf * rks
            tot = jnp.zeros((_V,), jnp.float32)
            for g in range(_GRID):
                tot = tot + jnp.maximum(0.0, 1.0 - jnp.abs(sfp - jnp.float32(g) * rks))
            finish(sf, sfp, tot, i)
            return carry
        lax.fori_loop(0, _SEG // _V, tok_body, 0)

    rks_v[...] = rks

    @pl.when(is_x)
    def _():
        pltpu.sync_copy(sfp_v, sfpx_hbm.at[pl.ds(base, _SEG)])
        pltpu.sync_copy(fac_v, facx_hbm.at[pl.ds(base, _SEG)])

    @pl.when(jnp.logical_not(is_x))
    def _():
        pltpu.sync_copy(sfp_v, sfpy_hbm.at[pl.ds(base, _SEG)])
        pltpu.sync_copy(fac_v, facy_hbm.at[pl.ds(base, _SEG)])

    pltpu.sync_copy(rks_v, rks_hbm.at[pl.ds(wid * _V, _V)])


def _sc_preprocess(xs, ys):
    n = xs.shape[0]
    mesh = plsc.VectorSubcoreMesh(core_axis_name="c", subcore_axis_name="s")
    out_type = (
        jax.ShapeDtypeStruct((n,), jnp.float32),
        jax.ShapeDtypeStruct((n,), jnp.float32),
        jax.ShapeDtypeStruct((n,), jnp.float32),
        jax.ShapeDtypeStruct((n,), jnp.float32),
        jax.ShapeDtypeStruct((32 * _V,), jnp.float32),
    )
    return pl.kernel(
        _sc_prep, out_type=out_type, mesh=mesh,
        compiler_params=pltpu.CompilerParams(needs_layout_passes=False),
        scratch_types=[
            pltpu.VMEM((_SEG,), jnp.int32),
            pltpu.VMEM((_SEG,), jnp.float32),
            pltpu.VMEM((_SEG,), jnp.float32),
            pltpu.VMEM((_V,), jnp.float32),
        ],
    )(xs, ys)


def _embed_kernel(sxp_ref, fxc_ref, syp_ref, fyc_ref, ts_ref, zs_ref,
                  rksx_ref, rksy_ref, feats_hbm, table_ref,
                  out_hbm, fbuf, obuf, insem, outsem):
    seg = sxp_ref.shape[0]
    nch = seg // _CH
    b = pl.program_id(0)

    lane_sp = jax.lax.broadcasted_iota(jnp.int32, (1, _GRID * _GRID), 1)
    lane_oh = jax.lax.broadcasted_iota(jnp.int32, (1, _KDIM - _GRID * _GRID), 1)

    rks_x = jnp.max(rksx_ref[...])
    rks_y = jnp.max(rksy_ref[...])
    il = (lane_sp // _GRID).astype(jnp.float32) * rks_x
    jl = (lane_sp % _GRID).astype(jnp.float32) * rks_y

    def copy_in(g, slot):
        return pltpu.make_async_copy(
            feats_hbm.at[pl.ds(g * _CH, _CH), :], fbuf.at[slot],
            insem.at[slot])

    def copy_out(g, slot):
        return pltpu.make_async_copy(
            obuf.at[slot], out_hbm.at[pl.ds(g * _CH, _CH), :],
            outsem.at[slot])

    nseg_ch = pl.num_programs(0) * nch

    @pl.when(b == 0)
    def _():
        copy_in(0, 0).start()

    def body(c, _):
        g = b * nch + c
        slot = jax.lax.rem(c, 2)
        nslot = 1 - slot

        @pl.when(g + 1 < nseg_ch)
        def _():
            copy_in(g + 1, nslot).start()

        r0 = c * _CH
        sxp = sxp_ref[pl.ds(r0, _CH), :]
        syp = syp_ref[pl.ds(r0, _CH), :]
        fx = fxc_ref[pl.ds(r0, _CH), :]
        fy = fyc_ref[pl.ds(r0, _CH), :]
        ts = ts_ref[pl.ds(r0, _CH), :]
        zs = zs_ref[pl.ds(r0, _CH), :]
        dx = (sxp - il).astype(jnp.bfloat16)
        dy = (syp - jl).astype(jnp.bfloat16)
        one = jnp.bfloat16(1.0)
        zero = jnp.bfloat16(0.0)
        wxb = jnp.maximum(zero, one - jnp.abs(dx))
        wyb = jnp.maximum(zero, one - jnp.abs(dy))
        w_sp = (wxb * wyb) * (fx * fy).astype(jnp.bfloat16)
        onehot = jnp.logical_or(lane_oh == ts, lane_oh - 32 == zs)
        w = jnp.concatenate([w_sp, onehot.astype(jnp.bfloat16)], axis=1)
        acc = jax.lax.dot_general(
            w, table_ref[...], (((1,), (0,)), ((), ())),
            preferred_element_type=jnp.float32)

        copy_in(g, slot).wait()

        @pl.when(g >= 2)
        def _():
            copy_out(g - 2, slot).wait()

        obuf[slot] = fbuf[slot] + acc
        copy_out(g, slot).start()
        return 0

    jax.lax.fori_loop(0, nch, body, 0)

    @pl.when(b == pl.num_programs(0) - 1)
    def _():
        last = nseg_ch - 1
        copy_out(last - 1, jax.lax.rem(last - 1, 2)).wait()
        copy_out(last, jax.lax.rem(last, 2)).wait()


def kernel(feats, coords, cu_seqlens, pos2d_w, pos_t_w, pos_z_w):
    tot, hid = feats.shape
    nb = cu_seqlens.shape[0] - 1
    seg = tot // nb
    pad = _KDIM - (pos2d_w.shape[0] + pos_t_w.shape[0] + pos_z_w.shape[0])
    table = jnp.concatenate(
        [pos2d_w, pos_t_w, pos_z_w,
         jnp.zeros((pad, hid), jnp.float32)], axis=0).astype(jnp.bfloat16)
    ts = coords[:, 1:2]
    zs = coords[:, 4:5]

    sfpx, facx, sfpy, facy, rks = _sc_preprocess(coords[:, 2], coords[:, 3])
    sfpx = sfpx.reshape(tot, 1)
    facx = facx.reshape(tot, 1)
    sfpy = sfpy.reshape(tot, 1)
    facy = facy.reshape(tot, 1)
    rks3 = rks.reshape(nb, 2, _V)
    rksx3 = rks3[:, 0:1, :]
    rksy3 = rks3[:, 1:2, :]

    col = pl.BlockSpec((seg, 1), lambda b: (b, 0))
    prow = pl.BlockSpec((1, 1, _V), lambda b: (b, 0, 0))
    return pl.pallas_call(
        _embed_kernel,
        grid=(nb,),
        in_specs=[
            col, col, col, col, col, col,
            prow, prow,
            pl.BlockSpec(memory_space=pltpu.MemorySpace.HBM),
            pl.BlockSpec((_KDIM, hid), lambda b: (0, 0)),
        ],
        out_specs=pl.BlockSpec(memory_space=pltpu.MemorySpace.HBM),
        out_shape=jax.ShapeDtypeStruct((tot, hid), jnp.float32),
        scratch_shapes=[
            pltpu.VMEM((2, _CH, hid), jnp.float32),
            pltpu.VMEM((2, _CH, hid), jnp.float32),
            pltpu.SemaphoreType.DMA((2,)),
            pltpu.SemaphoreType.DMA((2,)),
        ],
        compiler_params=pltpu.CompilerParams(
            dimension_semantics=("arbitrary",),
            vmem_limit_bytes=128 * 1024 * 1024,
        ),
    )(sfpx, facx, sfpy, facy, ts, zs, rksx3, rksy3, feats, table)

# --- scband reference (transcript-rebuilt; emitter-appended) ---
"""Pipeline reference for scband-learned-position-embedder4-d-45303315038801 (READ-ONLY COPY).

The authoritative reference and input builder live on the scoring server;
editing this copy changes nothing except your own understanding.
"""

import jax, jax.numpy as jnp
import numpy as np

HIDDEN = 1024
NUM_PATCHES_2D = 256
GRID = 16
MAX_T = 32
MAX_Z = 16
B = 16
TOT = 32768


def setup_inputs(seed: int = 0):
    key = jax.random.key(seed)
    ks = jax.random.split(key, 8)
    feats = jax.random.normal(ks[0], (TOT, HIDDEN), dtype=jnp.float32)
    t = jax.random.randint(ks[1], (TOT,), 0, MAX_T)
    x = jax.random.randint(ks[2], (TOT,), 0, 32)
    y = jax.random.randint(ks[3], (TOT,), 0, 32)
    z = jax.random.randint(ks[4], (TOT,), 0, MAX_Z)
    bidx = jnp.repeat(jnp.arange(B), TOT // B)
    coords = jnp.stack([bidx, t, x, y, z], axis=1).astype(jnp.int32)
    cu_seqlens = (jnp.arange(B + 1) * (TOT // B)).astype(jnp.int32)
    pos2d_w = jax.random.normal(ks[5], (NUM_PATCHES_2D, HIDDEN), dtype=jnp.float32)
    # torch init: temporal and depth tables are zero-initialized
    pos_t_w = jnp.zeros((MAX_T, HIDDEN), dtype=jnp.float32)
    pos_z_w = jnp.zeros((MAX_Z, HIDDEN), dtype=jnp.float32)
    return {"feats": feats, "coords": coords, "cu_seqlens": cu_seqlens,
            "pos2d_w": pos2d_w, "pos_t_w": pos_t_w, "pos_z_w": pos_z_w}


def _emb_1d(table, idx):
    # mirrors get_1d_embeddings: idx is drawn in [0, table.shape[0]) for every
    # seed, so the in-range lookup branch is statically selected
    return table[idx]


def _resize_weights(pos, out_size, in_size):
    # mirrors jax.image.resize linear weights (half-pixel sampling, antialias,
    # normalization, out-of-range zeroing) evaluated at output positions `pos`
    inv_scale = 1.0 / (out_size.astype(jnp.float32) / in_size)
    kernel_scale = jnp.maximum(inv_scale, 1.0)
    sample_f = (pos.astype(jnp.float32) + 0.5) * inv_scale - 0.5
    x = jnp.abs(sample_f[:, None] - jnp.arange(in_size, dtype=jnp.float32)[None, :]) / kernel_scale
    weights = jnp.maximum(0.0, 1.0 - x)
    total = weights.sum(axis=1, keepdims=True)
    weights = jnp.where(jnp.abs(total) > 1000.0 * float(np.finfo(np.float32).eps),
                        weights / jnp.where(total != 0, total, 1),
                        0.0)
    inb = jnp.logical_and(sample_f >= -0.5, sample_f <= in_size - 0.5)
    return jnp.where(inb[:, None], weights, 0.0)


def reference(feats, coords, cu_seqlens, pos2d_w, pos_t_w, pos_z_w):
    nb = cu_seqlens.shape[0] - 1
    seg_len = feats.shape[0] // nb
    grid = pos2d_w.reshape(GRID, GRID, HIDDEN)
    sp, tm, dp = [], [], []
    for b in range(nb):
        seg = jax.lax.dynamic_slice(coords, (cu_seqlens[b], 0), (seg_len, coords.shape[1]))
        ts = seg[:, 1]
        xs = seg[:, 2]
        ys = seg[:, 3]
        zs = seg[:, 4]
        h = xs.max() + 1
        w = ys.max() + 1
        # bilinear, align_corners=False (half-pixel), antialias has no effect on upsample
        wx = _resize_weights(xs, h, GRID)
        wy = _resize_weights(ys, w, GRID)
        a = jnp.einsum('ki,ijc->kjc', wx, grid, precision=jax.lax.Precision.HIGHEST)
        sp.append(jnp.einsum('kj,kjc->kc', wy, a, precision=jax.lax.Precision.HIGHEST))
        tm.append(_emb_1d(pos_t_w, ts))
        dp.append(_emb_1d(pos_z_w, zs))
    spatial = jnp.concatenate(sp, axis=0)
    temporal = jnp.concatenate(tm, axis=0)
    depth = jnp.concatenate(dp, axis=0)
    return feats + spatial + temporal + depth

if __name__ == "__main__":
    import jax
    _d = setup_inputs()
    print(jax.jit(kernel)(*tuple(_d.values())))

</pallas_src>

<mosaic_0001>
#map = affine_map<(d0, d1) -> (0)>
module attributes {stable_mosaic.version = 14 : i64} {
  func.func @_sc_prep(%arg0: i32, %arg1: i32, %arg2: memref<32768xi32, #tpu.memory_space<hbm>>, %arg3: memref<32768xi32, #tpu.memory_space<hbm>>, %arg4: memref<32768xf32, #tpu.memory_space<hbm>>, %arg5: memref<32768xf32, #tpu.memory_space<hbm>>, %arg6: memref<32768xf32, #tpu.memory_space<hbm>>, %arg7: memref<32768xf32, #tpu.memory_space<hbm>>, %arg8: memref<512xf32, #tpu.memory_space<hbm>>, %arg9: memref<2048xi32, #tpu.memory_space<vmem>>, %arg10: memref<2048xf32, #tpu.memory_space<vmem>>, %arg11: memref<2048xf32, #tpu.memory_space<vmem>>, %arg12: memref<16xf32, #tpu.memory_space<vmem>>) attributes {dimension_semantics = [#tpu.dimension_semantics<core_parallel>, #tpu.dimension_semantics<subcore_parallel>], iteration_bounds = array<i64: 2, 16>, scalar_prefetch = 0 : i64, scratch_operands = 4 : i64, tpu.core_type = #tpu.core_type<sc_vector_subcore>, window_params = [{transform_indices = #map}, {transform_indices = #map}, {transform_indices = #map}, {transform_indices = #map}, {transform_indices = #map}, {transform_indices = #map}, {transform_indices = #map}]} {
    %mul3A = arith.constant 2 : i32
    %mul3A_0 = arith.muli %arg1, %mul3A : i32
    %add3A = arith.addi %mul3A_0, %arg0 : i32
    %jit3A = arith.constant 2 : i32
    %div3A = arith.divsi %add3A, %jit3A : i32
    %sign3A = arith.constant 0 : i32
    %sign3A_1 = arith.cmpi sgt, %add3A, %sign3A : i32
    %sign3A_2 = arith.extui %sign3A_1 : i1 to i32
    %sign3A_3 = arith.constant 0 : i32
    %sign3A_4 = arith.cmpi slt, %add3A, %sign3A_3 : i32
    %sign3A_5 = arith.extui %sign3A_4 : i1 to i32
    %sign3A_6 = arith.subi %sign3A_2, %sign3A_5 : i32
    %sign3A_7 = arith.constant 0 : i32
    %sign3A_8 = arith.cmpi sgt, %jit3A, %sign3A_7 : i32
    %sign3A_9 = arith.extui %sign3A_8 : i1 to i32
    %sign3A_10 = arith.constant 0 : i32
    %sign3A_11 = arith.cmpi slt, %jit3A, %sign3A_10 : i32
    %sign3A_12 = arith.extui %sign3A_11 : i1 to i32
    %sign3A_13 = arith.subi %sign3A_9, %sign3A_12 : i32
    %ne3A = arith.cmpi ne, %sign3A_6, %sign3A_13 : i32
    %rem3A = arith.remsi %add3A, %jit3A : i32
    %ne3A_14 = arith.constant 0 : i32
    %ne3A_15 = arith.cmpi ne, %rem3A, %ne3A_14 : i32
    %and3A = arith.andi %ne3A, %ne3A_15 : i1
    %sub3A = arith.constant 1 : i32
    %sub3A_16 = arith.subi %div3A, %sub3A : i32
    %select_n3A = arith.select %and3A, %sub3A_16, %div3A : i32
    %jit3A_17 = arith.constant 2 : i32
    %eq3A = arith.constant 0 : i32
    %eq3A_18 = arith.cmpi eq, %jit3A_17, %eq3A : i32
    %jit3A_19 = arith.constant 1 : i32
    %select_n3A_20 = arith.select %eq3A_18, %jit3A_19, %jit3A_17 : i32
    %rem3A_21 = arith.remsi %add3A, %select_n3A_20 : i32
    %ne3A_22 = arith.constant 0 : i32
    %ne3A_23 = arith.cmpi ne, %rem3A_21, %ne3A_22 : i32
    %lt3A = arith.constant 0 : i32
    %lt3A_24 = arith.cmpi slt, %rem3A_21, %lt3A : i32
    %lt3A_25 = arith.constant 0 : i32
    %lt3A_26 = arith.cmpi slt, %select_n3A_20, %lt3A_25 : i32
    %ne3A_27 = arith.xori %lt3A_24, %lt3A_26 : i1
    %and3A_28 = arith.andi %ne3A_27, %ne3A_23 : i1
    %add3A_29 = arith.addi %rem3A_21, %select_n3A_20 : i32
    %select_n3A_30 = arith.select %and3A_28, %add3A_29, %rem3A_21 : i32
    %eq3A_31 = arith.constant 0 : i32
    %eq3A_32 = arith.cmpi eq, %select_n3A_30, %eq3A_31 : i32
    %mul3A_33 = arith.constant 2048 : i32
    %mul3A_34 = arith.muli %select_n3A, %mul3A_33 : i32
    %convert_element_type3A = arith.extui %eq3A_32 : i1 to i32
    %cond3A = arith.constant 0 : i32
    %cond3A_35 = arith.cmpi ne, %convert_element_type3A, %cond3A : i32
    scf.if %cond3A_35 {
      "tpu.region"() ({
        %run_scoped3A = tpu.sem_alloc : memref<!tpu.dma_semaphore, #tpu.memory_space<semaphore_mem>>
        %dma_start3A = tpu.memref_slice %arg2[%mul3A_34] : memref<32768xi32, #tpu.memory_space<hbm>> -> memref<2048xi32, #tpu.memory_space<hbm>>
        %dma_start3A_90 = tpu.memref_slice %arg2[%mul3A_34] : memref<32768xi32, #tpu.memory_space<hbm>> -> memref<2048xi32, #tpu.memory_space<hbm>>
        tpu.enqueue_dma source(%dma_start3A_90 : memref<2048xi32, #tpu.memory_space<hbm>>) target(%arg9 : memref<2048xi32, #tpu.memory_space<vmem>>) target_semaphore(%run_scoped3A : memref<!tpu.dma_semaphore, #tpu.memory_space<semaphore_mem>>)
        %dma_wait3A = tpu.memref_slice %arg2[%mul3A_34] : memref<32768xi32, #tpu.memory_space<hbm>> -> memref<2048xi32, #tpu.memory_space<hbm>>
        %dma_wait3A_91 = tpu.memref_slice %arg2[%mul3A_34] : memref<32768xi32, #tpu.memory_space<hbm>> -> memref<2048xi32, #tpu.memory_space<hbm>>
        tpu.wait_dma2 semaphore(%run_scoped3A : memref<!tpu.dma_semaphore, #tpu.memory_space<semaphore_mem>>) src(%dma_wait3A_91 : memref<2048xi32, #tpu.memory_space<hbm>>) dst(%arg9 : memref<2048xi32, #tpu.memory_space<vmem>>)
        tpu.yield
      }) : () -> ()
    } else {
    }
    %not3A = arith.constant true
    %not3A_36 = arith.xori %eq3A_32, %not3A : i1
    %convert_element_type3A_37 = arith.extui %not3A_36 : i1 to i32
    %cond3A_38 = arith.constant 0 : i32
    %cond3A_39 = arith.cmpi ne, %convert_element_type3A_37, %cond3A_38 : i32
    scf.if %cond3A_39 {
      "tpu.region"() ({
        %run_scoped3A = tpu.sem_alloc : memref<!tpu.dma_semaphore, #tpu.memory_space<semaphore_mem>>
        %dma_start3A = tpu.memref_slice %arg3[%mul3A_34] : memref<32768xi32, #tpu.memory_space<hbm>> -> memref<2048xi32, #tpu.memory_space<hbm>>
        %dma_start3A_90 = tpu.memref_slice %arg3[%mul3A_34] : memref<32768xi32, #tpu.memory_space<hbm>> -> memref<2048xi32, #tpu.memory_space<hbm>>
        tpu.enqueue_dma source(%dma_start3A_90 : memref<2048xi32, #tpu.memory_space<hbm>>) target(%arg9 : memref<2048xi32, #tpu.memory_space<vmem>>) target_semaphore(%run_scoped3A : memref<!tpu.dma_semaphore, #tpu.memory_space<semaphore_mem>>)
        %dma_wait3A = tpu.memref_slice %arg3[%mul3A_34] : memref<32768xi32, #tpu.memory_space<hbm>> -> memref<2048xi32, #tpu.memory_space<hbm>>
        %dma_wait3A_91 = tpu.memref_slice %arg3[%mul3A_34] : memref<32768xi32, #tpu.memory_space<hbm>> -> memref<2048xi32, #tpu.memory_space<hbm>>
        tpu.wait_dma2 semaphore(%run_scoped3A : memref<!tpu.dma_semaphore, #tpu.memory_space<semaphore_mem>>) src(%dma_wait3A_91 : memref<2048xi32, #tpu.memory_space<hbm>>) dst(%arg9 : memref<2048xi32, #tpu.memory_space<vmem>>)
        tpu.yield
      }) : () -> ()
    } else {
    }
    %broadcast_in_dim3A = arith.constant -1 : i32
    %broadcast_in_dim3A_40 = vector.broadcast %broadcast_in_dim3A : i32 to vector<16xi32>
    %scan3A = arith.constant 0 : i32
    %scan3A_41 = arith.constant 128 : i32
    %scan3A_42 = arith.addi %scan3A, %scan3A_41 : i32
    %scan3A_43 = arith.constant 1 : i32
    %scan3A_44 = scf.for %scan3A_90 = %scan3A to %scan3A_42 step %scan3A_43 iter_args(%scan3A_91 = %broadcast_in_dim3A_40) -> (vector<16xi32>)  : i32 {
      %mul3A_92 = arith.constant 16 : i32
      %mul3A_93 = arith.muli %scan3A_90, %mul3A_92 : i32
      %get3A = arith.index_cast %mul3A_93 : i32 to index
      %get3A_94 = tpu.vector_load %arg9[%get3A] {strides = array<i32>} : memref<2048xi32, #tpu.memory_space<vmem>>, vector<16xi32>,
      %max3A_95 = arith.maxsi %scan3A_91, %get3A_94 : vector<16xi32>
      scf.yield %max3A_95 : vector<16xi32>
    }
    %scan3A_45 = arith.constant 128 : i32
    %reduce_max3A = arith.constant true
    %reduce_max3A_46 = vector.broadcast %reduce_max3A : i1 to vector<16xi1>
    %reduce_max3A_47 = arith.constant -2147483648 : i32
    %reduce_max3A_48 = vector.broadcast %reduce_max3A_47 : i32 to vector<16xi32>
    %reduce_max3A_49 = arith.xori %scan3A_44, %reduce_max3A_48 : vector<16xi32>
    %reduce_max3A_50 = tpu.scan <max>, %reduce_max3A_49 masked %reduce_max3A_46 : vector<16xi32>, vector<16xi1> -> vector<16xi32>
    %reduce_max3A_51 = arith.xori %reduce_max3A_50, %reduce_max3A_48 : vector<16xi32>
    %reduce_max3A_52 = vector.extract %reduce_max3A_51[15] : i32 from vector<16xi32>
    %broadcast_in_dim3A_53 = vector.broadcast %reduce_max3A_52 : i32 to vector<16xi32>
    %convert_element_type3A_54 = arith.sitofp %broadcast_in_dim3A_53 : vector<16xi32> to vector<16xf32>
    %add3A_55 = arith.constant 1.000000e+00 : f32
    %add3A_56 = vector.broadcast %add3A_55 : f32 to vector<16xf32>
    %add3A_57 = arith.addf %convert_element_type3A_54, %add3A_56 : vector<16xf32>
    %broadcast_in_dim3A_58 = arith.constant 1.600000e+01 : f32
    %broadcast_in_dim3A_59 = vector.broadcast %broadcast_in_dim3A_58 : f32 to vector<16xf32>
    %div3A_60 = arith.divf %broadcast_in_dim3A_59, %add3A_57 : vector<16xf32>
    %max3A = arith.constant 1.000000e+00 : f32
    %max3A_61 = vector.broadcast %max3A : f32 to vector<16xf32>
    %max3A_62 = arith.maximumf %div3A_60, %max3A_61 : vector<16xf32>
    %broadcast_in_dim3A_63 = arith.constant 1.000000e+00 : f32
    %broadcast_in_dim3A_64 = vector.broadcast %broadcast_in_dim3A_63 : f32 to vector<16xf32>
    %div3A_65 = arith.divf %broadcast_in_dim3A_64, %max3A_62 : vector<16xf32>
    %reduce_max3A_66 = arith.constant true
    %reduce_max3A_67 = vector.broadcast %reduce_max3A_66 : i1 to vector<16xi1>
    %reduce_max3A_68 = tpu.scan <max>, %max3A_62 masked %reduce_max3A_67 : vector<16xf32>, vector<16xi1> -> vector<16xf32>
    %reduce_max3A_69 = vector.extract %reduce_max3A_68[15] : f32 from vector<16xf32>
    %le3A = arith.constant 1.000000e+00 : f32
    %le3A_70 = arith.cmpf ole, %reduce_max3A_69, %le3A : f32
    %convert_element_type3A_71 = arith.extui %le3A_70 : i1 to i32
    %cond3A_72 = arith.constant 0 : i32
    %cond3A_73 = arith.cmpi ne, %convert_element_type3A_71, %cond3A_72 : i32
    scf.if %cond3A_73 {
      %scan3A_90 = arith.constant 0 : i32
      %scan3A_91 = arith.constant 0 : i32
      %scan3A_92 = arith.constant 128 : i32
      %scan3A_93 = arith.addi %scan3A_91, %scan3A_92 : i32
      %scan3A_94 = arith.constant 1 : i32
      scf.for %scan3A_96 = %scan3A_91 to %scan3A_93 step %scan3A_94  : i32 {
        %mul3A_97 = arith.constant 16 : i32
        %mul3A_98 = arith.muli %scan3A_96, %mul3A_97 : i32
        %get3A = arith.index_cast %mul3A_98 : i32 to index
        %get3A_99 = tpu.vector_load %arg9[%get3A] {strides = array<i32>} : memref<2048xi32, #tpu.memory_space<vmem>>, vector<16xi32>,
        %convert_element_type3A_100 = arith.sitofp %get3A_99 : vector<16xi32> to vector<16xf32>
        %add3A_101 = arith.constant 5.000000e-01 : f32
        %add3A_102 = vector.broadcast %add3A_101 : f32 to vector<16xf32>
        %add3A_103 = arith.addf %convert_element_type3A_100, %add3A_102 : vector<16xf32>
        %mul3A_104 = arith.mulf %add3A_103, %div3A_60 : vector<16xf32>
        %sub3A_105 = arith.constant 5.000000e-01 : f32
        %sub3A_106 = vector.broadcast %sub3A_105 : f32 to vector<16xf32>
        %sub3A_107 = arith.subf %mul3A_104, %sub3A_106 : vector<16xf32>
        %add3A_108 = arith.constant 1.000000e+00 : f32
        %add3A_109 = vector.broadcast %add3A_108 : f32 to vector<16xf32>
        %add3A_110 = arith.addf %add3A_109, %sub3A_107 : vector<16xf32>
        %sub3A_111 = arith.constant 1.600000e+01 : f32
        %sub3A_112 = vector.broadcast %sub3A_111 : f32 to vector<16xf32>
        %sub3A_113 = arith.subf %sub3A_112, %sub3A_107 : vector<16xf32>
        %min3A = arith.minimumf %add3A_110, %sub3A_113 : vector<16xf32>
        %min3A_114 = arith.constant 1.000000e+00 : f32
        %min3A_115 = vector.broadcast %min3A_114 : f32 to vector<16xf32>
        %min3A_116 = arith.minimumf %min3A, %min3A_115 : vector<16xf32>
        %mul3A_117 = arith.mulf %sub3A_107, %div3A_65 : vector<16xf32>
        %ne3A_118 = arith.constant 0.000000e+00 : f32
        %ne3A_119 = vector.broadcast %ne3A_118 : f32 to vector<16xf32>
        %ne3A_120 = arith.cmpf one, %min3A_116, %ne3A_119 : vector<16xf32>
        %jit3A_121 = arith.constant 1.000000e+00 : f32
        %broadcast_in_dim3A_122 = vector.broadcast %jit3A_121 : f32 to vector<16xf32>
        %select_n3A_123 = arith.select %ne3A_120, %min3A_116, %broadcast_in_dim3A_122 : vector<16xi1>, vector<16xf32>
        %abs3A = math.absf %min3A_116 : vector<16xf32>
        %gt3A = arith.constant 1.1920929E-4 : f32
        %gt3A_124 = vector.broadcast %gt3A : f32 to vector<16xf32>
        %gt3A_125 = arith.cmpf ogt, %abs3A, %gt3A_124 : vector<16xf32>
        %broadcast_in_dim3A_126 = arith.constant 1.000000e+00 : f32
        %broadcast_in_dim3A_127 = vector.broadcast %broadcast_in_dim3A_126 : f32 to vector<16xf32>
        %div3A_128 = arith.divf %broadcast_in_dim3A_127, %select_n3A_123 : vector<16xf32>
        %jit3A_129 = arith.constant 0.000000e+00 : f32
        %broadcast_in_dim3A_130 = vector.broadcast %jit3A_129 : f32 to vector<16xf32>
        %select_n3A_131 = arith.select %gt3A_125, %div3A_128, %broadcast_in_dim3A_130 : vector<16xi1>, vector<16xf32>
        %ge3A = arith.constant -5.000000e-01 : f32
        %ge3A_132 = vector.broadcast %ge3A : f32 to vector<16xf32>
        %ge3A_133 = arith.cmpf oge, %sub3A_107, %ge3A_132 : vector<16xf32>
        %sub3A_134 = arith.constant 1.600000e+01 : f32
        %sub3A_135 = arith.constant 5.000000e-01 : f32
        %sub3A_136 = arith.subf %sub3A_134, %sub3A_135 : f32
        %le3A_137 = vector.broadcast %sub3A_136 : f32 to vector<16xf32>
        %le3A_138 = arith.cmpf ole, %sub3A_107, %le3A_137 : vector<16xf32>
        %and3A_139 = arith.andi %ge3A_133, %le3A_138 : vector<16xi1>
        %jit3A_140 = arith.constant 0.000000e+00 : f32
        %broadcast_in_dim3A_141 = vector.broadcast %jit3A_140 : f32 to vector<16xf32>
        %select_n3A_142 = arith.select %and3A_139, %select_n3A_131, %broadcast_in_dim3A_141 : vector<16xi1>, vector<16xf32>
        %mul3A_143 = arith.constant 16 : i32
        %mul3A_144 = arith.muli %scan3A_96, %mul3A_143 : i32
        %swap3A_145 = arith.index_cast %mul3A_144 : i32 to index
        %swap3A_146 = tpu.vector_load %arg10[%swap3A_145] {strides = array<i32>} : memref<2048xf32, #tpu.memory_space<vmem>>, vector<16xf32>,
        tpu.vector_store %arg10[%swap3A_145], %mul3A_117 {strides = array<i32>} : memref<2048xf32, #tpu.memory_space<vmem>>, vector<16xf32>,
        %mul3A_147 = arith.constant 16 : i32
        %mul3A_148 = arith.muli %scan3A_96, %mul3A_147 : i32
        %swap3A_149 = arith.index_cast %mul3A_148 : i32 to index
        %swap3A_150 = tpu.vector_load %arg11[%swap3A_149] {strides = array<i32>} : memref<2048xf32, #tpu.memory_space<vmem>>, vector<16xf32>,
        tpu.vector_store %arg11[%swap3A_149], %select_n3A_142 {strides = array<i32>} : memref<2048xf32, #tpu.memory_space<vmem>>, vector<16xf32>,
      }
      %scan3A_95 = arith.constant 128 : i32
    } else {
    }
    %not3A_74 = arith.constant true
    %not3A_75 = arith.xori %le3A_70, %not3A_74 : i1
    %convert_element_type3A_76 = arith.extui %not3A_75 : i1 to i32
    %cond3A_77 = arith.constant 0 : i32
    %cond3A_78 = arith.cmpi ne, %convert_element_type3A_76, %cond3A_77 : i32
    scf.if %cond3A_78 {
      %scan3A_90 = arith.constant 0 : i32
      %scan3A_91 = arith.constant 0 : i32
      %scan3A_92 = arith.constant 128 : i32
      %scan3A_93 = arith.addi %scan3A_91, %scan3A_92 : i32
      %scan3A_94 = arith.constant 1 : i32
      scf.for %scan3A_96 = %scan3A_91 to %scan3A_93 step %scan3A_94  : i32 {
        %mul3A_97 = arith.constant 16 : i32
        %mul3A_98 = arith.muli %scan3A_96, %mul3A_97 : i32
        %get3A = arith.index_cast %mul3A_98 : i32 to index
        %get3A_99 = tpu.vector_load %arg9[%get3A] {strides = array<i32>} : memref<2048xi32, #tpu.memory_space<vmem>>, vector<16xi32>,
        %convert_element_type3A_100 = arith.sitofp %get3A_99 : vector<16xi32> to vector<16xf32>
        %add3A_101 = arith.constant 5.000000e-01 : f32
        %add3A_102 = vector.broadcast %add3A_101 : f32 to vector<16xf32>
        %add3A_103 = arith.addf %convert_element_type3A_100, %add3A_102 : vector<16xf32>
        %mul3A_104 = arith.mulf %add3A_103, %div3A_60 : vector<16xf32>
        %sub3A_105 = arith.constant 5.000000e-01 : f32
        %sub3A_106 = vector.broadcast %sub3A_105 : f32 to vector<16xf32>
        %sub3A_107 = arith.subf %mul3A_104, %sub3A_106 : vector<16xf32>
        %mul3A_108 = arith.mulf %sub3A_107, %div3A_65 : vector<16xf32>
        %broadcast_in_dim3A_109 = arith.constant 0.000000e+00 : f32
        %broadcast_in_dim3A_110 = vector.broadcast %broadcast_in_dim3A_109 : f32 to vector<16xf32>
        %mul3A_111 = arith.constant 0.000000e+00 : f32
        %mul3A_112 = vector.broadcast %mul3A_111 : f32 to vector<16xf32>
        %mul3A_113 = arith.mulf %mul3A_112, %div3A_65 : vector<16xf32>
        %sub3A_114 = arith.subf %mul3A_108, %mul3A_113 : vector<16xf32>
        %abs3A = math.absf %sub3A_114 : vector<16xf32>
        %sub3A_115 = arith.constant 1.000000e+00 : f32
        %sub3A_116 = vector.broadcast %sub3A_115 : f32 to vector<16xf32>
        %sub3A_117 = arith.subf %sub3A_116, %abs3A : vector<16xf32>
        %max3A_118 = arith.constant 0.000000e+00 : f32
        %max3A_119 = vector.broadcast %max3A_118 : f32 to vector<16xf32>
        %max3A_120 = arith.maximumf %max3A_119, %sub3A_117 : vector<16xf32>
        %add3A_121 = arith.addf %broadcast_in_dim3A_110, %max3A_120 : vector<16xf32>
        %mul3A_122 = arith.constant 1.000000e+00 : f32
        %mul3A_123 = vector.broadcast %mul3A_122 : f32 to vector<16xf32>
        %mul3A_124 = arith.mulf %mul3A_123, %div3A_65 : vector<16xf32>
        %sub3A_125 = arith.subf %mul3A_108, %mul3A_124 : vector<16xf32>
        %abs3A_126 = math.absf %sub3A_125 : vector<16xf32>
        %sub3A_127 = arith.constant 1.000000e+00 : f32
        %sub3A_128 = vector.broadcast %sub3A_127 : f32 to vector<16xf32>
        %sub3A_129 = arith.subf %sub3A_128, %abs3A_126 : vector<16xf32>
        %max3A_130 = arith.constant 0.000000e+00 : f32
        %max3A_131 = vector.broadcast %max3A_130 : f32 to vector<16xf32>
        %max3A_132 = arith.maximumf %max3A_131, %sub3A_129 : vector<16xf32>
        %add3A_133 = arith.addf %add3A_121, %max3A_132 : vector<16xf32>
        %mul3A_134 = arith.constant 2.000000e+00 : f32
        %mul3A_135 = vector.broadcast %mul3A_134 : f32 to vector<16xf32>
        %mul3A_136 = arith.mulf %mul3A_135, %div3A_65 : vector<16xf32>
        %sub3A_137 = arith.subf %mul3A_108, %mul3A_136 : vector<16xf32>
        %abs3A_138 = math.absf %sub3A_137 : vector<16xf32>
        %sub3A_139 = arith.constant 1.000000e+00 : f32
        %sub3A_140 = vector.broadcast %sub3A_139 : f32 to vector<16xf32>
        %sub3A_141 = arith.subf %sub3A_140, %abs3A_138 : vector<16xf32>
        %max3A_142 = arith.constant 0.000000e+00 : f32
        %max3A_143 = vector.broadcast %max3A_142 : f32 to vector<16xf32>
        %max3A_144 = arith.maximumf %max3A_143, %sub3A_141 : vector<16xf32>
        %add3A_145 = arith.addf %add3A_133, %max3A_144 : vector<16xf32>
        %mul3A_146 = arith.constant 3.000000e+00 : f32
        %mul3A_147 = vector.broadcast %mul3A_146 : f32 to vector<16xf32>
        %mul3A_148 = arith.mulf %mul3A_147, %div3A_65 : vector<16xf32>
        %sub3A_149 = arith.subf %mul3A_108, %mul3A_148 : vector<16xf32>
        %abs3A_150 = math.absf %sub3A_149 : vector<16xf32>
        %sub3A_151 = arith.constant 1.000000e+00 : f32
        %sub3A_152 = vector.broadcast %sub3A_151 : f32 to vector<16xf32>
        %sub3A_153 = arith.subf %sub3A_152, %abs3A_150 : vector<16xf32>
        %max3A_154 = arith.constant 0.000000e+00 : f32
        %max3A_155 = vector.broadcast %max3A_154 : f32 to vector<16xf32>
        %max3A_156 = arith.maximumf %max3A_155, %sub3A_153 : vector<16xf32>
        %add3A_157 = arith.addf %add3A_145, %max3A_156 : vector<16xf32>
        %mul3A_158 = arith.constant 4.000000e+00 : f32
        %mul3A_159 = vector.broadcast %mul3A_158 : f32 to vector<16xf32>
        %mul3A_160 = arith.mulf %mul3A_159, %div3A_65 : vector<16xf32>
        %sub3A_161 = arith.subf %mul3A_108, %mul3A_160 : vector<16xf32>
        %abs3A_162 = math.absf %sub3A_161 : vector<16xf32>
        %sub3A_163 = arith.constant 1.000000e+00 : f32
        %sub3A_164 = vector.broadcast %sub3A_163 : f32 to vector<16xf32>
        %sub3A_165 = arith.subf %sub3A_164, %abs3A_162 : vector<16xf32>
        %max3A_166 = arith.constant 0.000000e+00 : f32
        %max3A_167 = vector.broadcast %max3A_166 : f32 to vector<16xf32>
        %max3A_168 = arith.maximumf %max3A_167, %sub3A_165 : vector<16xf32>
        %add3A_169 = arith.addf %add3A_157, %max3A_168 : vector<16xf32>
        %mul3A_170 = arith.constant 5.000000e+00 : f32
        %mul3A_171 = vector.broadcast %mul3A_170 : f32 to vector<16xf32>
        %mul3A_172 = arith.mulf %mul3A_171, %div3A_65 : vector<16xf32>
        %sub3A_173 = arith.subf %mul3A_108, %mul3A_172 : vector<16xf32>
        %abs3A_174 = math.absf %sub3A_173 : vector<16xf32>
        %sub3A_175 = arith.constant 1.000000e+00 : f32
        %sub3A_176 = vector.broadcast %sub3A_175 : f32 to vector<16xf32>
        %sub3A_177 = arith.subf %sub3A_176, %abs3A_174 : vector<16xf32>
        %max3A_178 = arith.constant 0.000000e+00 : f32
        %max3A_179 = vector.broadcast %max3A_178 : f32 to vector<16xf32>
        %max3A_180 = arith.maximumf %max3A_179, %sub3A_177 : vector<16xf32>
        %add3A_181 = arith.addf %add3A_169, %max3A_180 : vector<16xf32>
        %mul3A_182 = arith.constant 6.000000e+00 : f32
        %mul3A_183 = vector.broadcast %mul3A_182 : f32 to vector<16xf32>
        %mul3A_184 = arith.mulf %mul3A_183, %div3A_65 : vector<16xf32>
        %sub3A_185 = arith.subf %mul3A_108, %mul3A_184 : vector<16xf32>
        %abs3A_186 = math.absf %sub3A_185 : vector<16xf32>
        %sub3A_187 = arith.constant 1.000000e+00 : f32
        %sub3A_188 = vector.broadcast %sub3A_187 : f32 to vector<16xf32>
        %sub3A_189 = arith.subf %sub3A_188, %abs3A_186 : vector<16xf32>
        %max3A_190 = arith.constant 0.000000e+00 : f32
        %max3A_191 = vector.broadcast %max3A_190 : f32 to vector<16xf32>
        %max3A_192 = arith.maximumf %max3A_191, %sub3A_189 : vector<16xf32>
        %add3A_193 = arith.addf %add3A_181, %max3A_192 : vector<16xf32>
        %mul3A_194 = arith.constant 7.000000e+00 : f32
        %mul3A_195 = vector.broadcast %mul3A_194 : f32 to vector<16xf32>
        %mul3A_196 = arith.mulf %mul3A_195, %div3A_65 : vector<16xf32>
        %sub3A_197 = arith.subf %mul3A_108, %mul3A_196 : vector<16xf32>
        %abs3A_198 = math.absf %sub3A_197 : vector<16xf32>
        %sub3A_199 = arith.constant 1.000000e+00 : f32
        %sub3A_200 = vector.broadcast %sub3A_199 : f32 to vector<16xf32>
        %sub3A_201 = arith.subf %sub3A_200, %abs3A_198 : vector<16xf32>
        %max3A_202 = arith.constant 0.000000e+00 : f32
        %max3A_203 = vector.broadcast %max3A_202 : f32 to vector<16xf32>
        %max3A_204 = arith.maximumf %max3A_203, %sub3A_201 : vector<16xf32>
        %add3A_205 = arith.addf %add3A_193, %max3A_204 : vector<16xf32>
        %mul3A_206 = arith.constant 8.000000e+00 : f32
        %mul3A_207 = vector.broadcast %mul3A_206 : f32 to vector<16xf32>
        %mul3A_208 = arith.mulf %mul3A_207, %div3A_65 : vector<16xf32>
        %sub3A_209 = arith.subf %mul3A_108, %mul3A_208 : vector<16xf32>
        %abs3A_210 = math.absf %sub3A_209 : vector<16xf32>
        %sub3A_211 = arith.constant 1.000000e+00 : f32
        %sub3A_212 = vector.broadcast %sub3A_211 : f32 to vector<16xf32>
        %sub3A_213 = arith.subf %sub3A_212, %abs3A_210 : vector<16xf32>
        %max3A_214 = arith.constant 0.000000e+00 : f32
        %max3A_215 = vector.broadcast %max3A_214 : f32 to vector<16xf32>
        %max3A_216 = arith.maximumf %max3A_215, %sub3A_213 : vector<16xf32>
        %add3A_217 = arith.addf %add3A_205, %max3A_216 : vector<16xf32>
        %mul3A_218 = arith.constant 9.000000e+00 : f32
        %mul3A_219 = vector.broadcast %mul3A_218 : f32 to vector<16xf32>
        %mul3A_220 = arith.mulf %mul3A_219, %div3A_65 : vector<16xf32>
        %sub3A_221 = arith.subf %mul3A_108, %mul3A_220 : vector<16xf32>
        %abs3A_222 = math.absf %sub3A_221 : vector<16xf32>
        %sub3A_223 = arith.constant 1.000000e+00 : f32
        %sub3A_224 = vector.broadcast %sub3A_223 : f32 to vector<16xf32>
        %sub3A_225 = arith.subf %sub3A_224, %abs3A_222 : vector<16xf32>
        %max3A_226 = arith.constant 0.000000e+00 : f32
        %max3A_227 = vector.broadcast %max3A_226 : f32 to vector<16xf32>
        %max3A_228 = arith.maximumf %max3A_227, %sub3A_225 : vector<16xf32>
        %add3A_229 = arith.addf %add3A_217, %max3A_228 : vector<16xf32>
        %mul3A_230 = arith.constant 1.000000e+01 : f32
        %mul3A_231 = vector.broadcast %mul3A_230 : f32 to vector<16xf32>
        %mul3A_232 = arith.mulf %mul3A_231, %div3A_65 : vector<16xf32>
        %sub3A_233 = arith.subf %mul3A_108, %mul3A_232 : vector<16xf32>
        %abs3A_234 = math.absf %sub3A_233 : vector<16xf32>
        %sub3A_235 = arith.constant 1.000000e+00 : f32
        %sub3A_236 = vector.broadcast %sub3A_235 : f32 to vector<16xf32>
        %sub3A_237 = arith.subf %sub3A_236, %abs3A_234 : vector<16xf32>
        %max3A_238 = arith.constant 0.000000e+00 : f32
        %max3A_239 = vector.broadcast %max3A_238 : f32 to vector<16xf32>
        %max3A_240 = arith.maximumf %max3A_239, %sub3A_237 : vector<16xf32>
        %add3A_241 = arith.addf %add3A_229, %max3A_240 : vector<16xf32>
        %mul3A_242 = arith.constant 1.100000e+01 : f32
        %mul3A_243 = vector.broadcast %mul3A_242 : f32 to vector<16xf32>
        %mul3A_244 = arith.mulf %mul3A_243, %div3A_65 : vector<16xf32>
        %sub3A_245 = arith.subf %mul3A_108, %mul3A_244 : vector<16xf32>
        %abs3A_246 = math.absf %sub3A_245 : vector<16xf32>
        %sub3A_247 = arith.constant 1.000000e+00 : f32
        %sub3A_248 = vector.broadcast %sub3A_247 : f32 to vector<16xf32>
        %sub3A_249 = arith.subf %sub3A_248, %abs3A_246 : vector<16xf32>
        %max3A_250 = arith.constant 0.000000e+00 : f32
        %max3A_251 = vector.broadcast %max3A_250 : f32 to vector<16xf32>
        %max3A_252 = arith.maximumf %max3A_251, %sub3A_249 : vector<16xf32>
        %add3A_253 = arith.addf %add3A_241, %max3A_252 : vector<16xf32>
        %mul3A_254 = arith.constant 1.200000e+01 : f32
        %mul3A_255 = vector.broadcast %mul3A_254 : f32 to vector<16xf32>
        %mul3A_256 = arith.mulf %mul3A_255, %div3A_65 : vector<16xf32>
        %sub3A_257 = arith.subf %mul3A_108, %mul3A_256 : vector<16xf32>
        %abs3A_258 = math.absf %sub3A_257 : vector<16xf32>
        %sub3A_259 = arith.constant 1.000000e+00 : f32
        %sub3A_260 = vector.broadcast %sub3A_259 : f32 to vector<16xf32>
        %sub3A_261 = arith.subf %sub3A_260, %abs3A_258 : vector<16xf32>
        %max3A_262 = arith.constant 0.000000e+00 : f32
        %max3A_263 = vector.broadcast %max3A_262 : f32 to vector<16xf32>
        %max3A_264 = arith.maximumf %max3A_263, %sub3A_261 : vector<16xf32>
        %add3A_265 = arith.addf %add3A_253, %max3A_264 : vector<16xf32>
        %mul3A_266 = arith.constant 1.300000e+01 : f32
        %mul3A_267 = vector.broadcast %mul3A_266 : f32 to vector<16xf32>
        %mul3A_268 = arith.mulf %mul3A_267, %div3A_65 : vector<16xf32>
        %sub3A_269 = arith.subf %mul3A_108, %mul3A_268 : vector<16xf32>
        %abs3A_270 = math.absf %sub3A_269 : vector<16xf32>
        %sub3A_271 = arith.constant 1.000000e+00 : f32
        %sub3A_272 = vector.broadcast %sub3A_271 : f32 to vector<16xf32>
        %sub3A_273 = arith.subf %sub3A_272, %abs3A_270 : vector<16xf32>
        %max3A_274 = arith.constant 0.000000e+00 : f32
        %max3A_275 = vector.broadcast %max3A_274 : f32 to vector<16xf32>
        %max3A_276 = arith.maximumf %max3A_275, %sub3A_273 : vector<16xf32>
        %add3A_277 = arith.addf %add3A_265, %max3A_276 : vector<16xf32>
        %mul3A_278 = arith.constant 1.400000e+01 : f32
        %mul3A_279 = vector.broadcast %mul3A_278 : f32 to vector<16xf32>
        %mul3A_280 = arith.mulf %mul3A_279, %div3A_65 : vector<16xf32>
        %sub3A_281 = arith.subf %mul3A_108, %mul3A_280 : vector<16xf32>
        %abs3A_282 = math.absf %sub3A_281 : vector<16xf32>
        %sub3A_283 = arith.constant 1.000000e+00 : f32
        %sub3A_284 = vector.broadcast %sub3A_283 : f32 to vector<16xf32>
        %sub3A_285 = arith.subf %sub3A_284, %abs3A_282 : vector<16xf32>
        %max3A_286 = arith.constant 0.000000e+00 : f32
        %max3A_287 = vector.broadcast %max3A_286 : f32 to vector<16xf32>
        %max3A_288 = arith.maximumf %max3A_287, %sub3A_285 : vector<16xf32>
        %add3A_289 = arith.addf %add3A_277, %max3A_288 : vector<16xf32>
        %mul3A_290 = arith.constant 1.500000e+01 : f32
        %mul3A_291 = vector.broadcast %mul3A_290 : f32 to vector<16xf32>
        %mul3A_292 = arith.mulf %mul3A_291, %div3A_65 : vector<16xf32>
        %sub3A_293 = arith.subf %mul3A_108, %mul3A_292 : vector<16xf32>
        %abs3A_294 = math.absf %sub3A_293 : vector<16xf32>
        %sub3A_295 = arith.constant 1.000000e+00 : f32
        %sub3A_296 = vector.broadcast %sub3A_295 : f32 to vector<16xf32>
        %sub3A_297 = arith.subf %sub3A_296, %abs3A_294 : vector<16xf32>
        %max3A_298 = arith.constant 0.000000e+00 : f32
        %max3A_299 = vector.broadcast %max3A_298 : f32 to vector<16xf32>
        %max3A_300 = arith.maximumf %max3A_299, %sub3A_297 : vector<16xf32>
        %add3A_301 = arith.addf %add3A_289, %max3A_300 : vector<16xf32>
        %ne3A_302 = arith.constant 0.000000e+00 : f32
        %ne3A_303 = vector.broadcast %ne3A_302 : f32 to vector<16xf32>
        %ne3A_304 = arith.cmpf one, %add3A_301, %ne3A_303 : vector<16xf32>
        %jit3A_305 = arith.constant 1.000000e+00 : f32
        %broadcast_in_dim3A_306 = vector.broadcast %jit3A_305 : f32 to vector<16xf32>
        %select_n3A_307 = arith.select %ne3A_304, %add3A_301, %broadcast_in_dim3A_306 : vector<16xi1>, vector<16xf32>
        %abs3A_308 = math.absf %add3A_301 : vector<16xf32>
        %gt3A = arith.constant 1.1920929E-4 : f32
        %gt3A_309 = vector.broadcast %gt3A : f32 to vector<16xf32>
        %gt3A_310 = arith.cmpf ogt, %abs3A_308, %gt3A_309 : vector<16xf32>
        %broadcast_in_dim3A_311 = arith.constant 1.000000e+00 : f32
        %broadcast_in_dim3A_312 = vector.broadcast %broadcast_in_dim3A_311 : f32 to vector<16xf32>
        %div3A_313 = arith.divf %broadcast_in_dim3A_312, %select_n3A_307 : vector<16xf32>
        %jit3A_314 = arith.constant 0.000000e+00 : f32
        %broadcast_in_dim3A_315 = vector.broadcast %jit3A_314 : f32 to vector<16xf32>
        %select_n3A_316 = arith.select %gt3A_310, %div3A_313, %broadcast_in_dim3A_315 : vector<16xi1>, vector<16xf32>
        %ge3A = arith.constant -5.000000e-01 : f32
        %ge3A_317 = vector.broadcast %ge3A : f32 to vector<16xf32>
        %ge3A_318 = arith.cmpf oge, %sub3A_107, %ge3A_317 : vector<16xf32>
        %sub3A_319 = arith.constant 1.600000e+01 : f32
        %sub3A_320 = arith.constant 5.000000e-01 : f32
        %sub3A_321 = arith.subf %sub3A_319, %sub3A_320 : f32
        %le3A_322 = vector.broadcast %sub3A_321 : f32 to vector<16xf32>
        %le3A_323 = arith.cmpf ole, %sub3A_107, %le3A_322 : vector<16xf32>
        %and3A_324 = arith.andi %ge3A_318, %le3A_323 : vector<16xi1>
        %jit3A_325 = arith.constant 0.000000e+00 : f32
        %broadcast_in_dim3A_326 = vector.broadcast %jit3A_325 : f32 to vector<16xf32>
        %select_n3A_327 = arith.select %and3A_324, %select_n3A_316, %broadcast_in_dim3A_326 : vector<16xi1>, vector<16xf32>
        %mul3A_328 = arith.constant 16 : i32
        %mul3A_329 = arith.muli %scan3A_96, %mul3A_328 : i32
        %swap3A_330 = arith.index_cast %mul3A_329 : i32 to index
        %swap3A_331 = tpu.vector_load %arg10[%swap3A_330] {strides = array<i32>} : memref<2048xf32, #tpu.memory_space<vmem>>, vector<16xf32>,
        tpu.vector_store %arg10[%swap3A_330], %mul3A_108 {strides = array<i32>} : memref<2048xf32, #tpu.memory_space<vmem>>, vector<16xf32>,
        %mul3A_332 = arith.constant 16 : i32
        %mul3A_333 = arith.muli %scan3A_96, %mul3A_332 : i32
        %swap3A_334 = arith.index_cast %mul3A_333 : i32 to index
        %swap3A_335 = tpu.vector_load %arg11[%swap3A_334] {strides = array<i32>} : memref<2048xf32, #tpu.memory_space<vmem>>, vector<16xf32>,
        tpu.vector_store %arg11[%swap3A_334], %select_n3A_327 {strides = array<i32>} : memref<2048xf32, #tpu.memory_space<vmem>>, vector<16xf32>,
      }
      %scan3A_95 = arith.constant 128 : i32
    } else {
    }
    %swap3A = arith.constant 0 : index
    %swap3A_79 = tpu.vector_load %arg12[%swap3A] {strides = array<i32>} : memref<16xf32, #tpu.memory_space<vmem>>, vector<16xf32>,
    tpu.vector_store %arg12[%swap3A], %div3A_65 {strides = array<i32>} : memref<16xf32, #tpu.memory_space<vmem>>, vector<16xf32>,
    %convert_element_type3A_80 = arith.extui %eq3A_32 : i1 to i32
    %cond3A_81 = arith.constant 0 : i32
    %cond3A_82 = arith.cmpi ne, %convert_element_type3A_80, %cond3A_81 : i32
    scf.if %cond3A_82 {
      "tpu.region"() ({
        %run_scoped3A = tpu.sem_alloc : memref<!tpu.dma_semaphore, #tpu.memory_space<semaphore_mem>>
        %dma_start3A = tpu.memref_slice %arg4[%mul3A_34] : memref<32768xf32, #tpu.memory_space<hbm>> -> memref<2048xf32, #tpu.memory_space<hbm>>
        %dma_start3A_90 = tpu.memref_slice %arg4[%mul3A_34] : memref<32768xf32, #tpu.memory_space<hbm>> -> memref<2048xf32, #tpu.memory_space<hbm>>
        tpu.enqueue_dma source(%arg10 : memref<2048xf32, #tpu.memory_space<vmem>>) target(%dma_start3A_90 : memref<2048xf32, #tpu.memory_space<hbm>>) target_semaphore(%run_scoped3A : memref<!tpu.dma_semaphore, #tpu.memory_space<semaphore_mem>>)
        %dma_wait3A = tpu.memref_slice %arg4[%mul3A_34] : memref<32768xf32, #tpu.memory_space<hbm>> -> memref<2048xf32, #tpu.memory_space<hbm>>
        %dma_wait3A_91 = tpu.memref_slice %arg4[%mul3A_34] : memref<32768xf32, #tpu.memory_space<hbm>> -> memref<2048xf32, #tpu.memory_space<hbm>>
        tpu.wait_dma2 semaphore(%run_scoped3A : memref<!tpu.dma_semaphore, #tpu.memory_space<semaphore_mem>>) src(%arg10 : memref<2048xf32, #tpu.memory_space<vmem>>) dst(%dma_wait3A_91 : memref<2048xf32, #tpu.memory_space<hbm>>)
        tpu.yield
      }) : () -> ()
      "tpu.region"() ({
        %run_scoped3A = tpu.sem_alloc : memref<!tpu.dma_semaphore, #tpu.memory_space<semaphore_mem>>
        %dma_start3A = tpu.memref_slice %arg5[%mul3A_34] : memref<32768xf32, #tpu.memory_space<hbm>> -> memref<2048xf32, #tpu.memory_space<hbm>>
        %dma_start3A_90 = tpu.memref_slice %arg5[%mul3A_34] : memref<32768xf32, #tpu.memory_space<hbm>> -> memref<2048xf32, #tpu.memory_space<hbm>>
        tpu.enqueue_dma source(%arg11 : memref<2048xf32, #tpu.memory_space<vmem>>) target(%dma_start3A_90 : memref<2048xf32, #tpu.memory_space<hbm>>) target_semaphore(%run_scoped3A : memref<!tpu.dma_semaphore, #tpu.memory_space<semaphore_mem>>)
        %dma_wait3A = tpu.memref_slice %arg5[%mul3A_34] : memref<32768xf32, #tpu.memory_space<hbm>> -> memref<2048xf32, #tpu.memory_space<hbm>>
        %dma_wait3A_91 = tpu.memref_slice %arg5[%mul3A_34] : memref<32768xf32, #tpu.memory_space<hbm>> -> memref<2048xf32, #tpu.memory_space<hbm>>
        tpu.wait_dma2 semaphore(%run_scoped3A : memref<!tpu.dma_semaphore, #tpu.memory_space<semaphore_mem>>) src(%arg11 : memref<2048xf32, #tpu.memory_space<vmem>>) dst(%dma_wait3A_91 : memref<2048xf32, #tpu.memory_space<hbm>>)
        tpu.yield
      }) : () -> ()
    } else {
    }
    %not3A_83 = arith.constant true
    %not3A_84 = arith.xori %eq3A_32, %not3A_83 : i1
    %convert_element_type3A_85 = arith.extui %not3A_84 : i1 to i32
    %cond3A_86 = arith.constant 0 : i32
    %cond3A_87 = arith.cmpi ne, %convert_element_type3A_85, %cond3A_86 : i32
    scf.if %cond3A_87 {
      "tpu.region"() ({
        %run_scoped3A = tpu.sem_alloc : memref<!tpu.dma_semaphore, #tpu.memory_space<semaphore_mem>>
        %dma_start3A = tpu.memref_slice %arg6[%mul3A_34] : memref<32768xf32, #tpu.memory_space<hbm>> -> memref<2048xf32, #tpu.memory_space<hbm>>
        %dma_start3A_90 = tpu.memref_slice %arg6[%mul3A_34] : memref<32768xf32, #tpu.memory_space<hbm>> -> memref<2048xf32, #tpu.memory_space<hbm>>
        tpu.enqueue_dma source(%arg10 : memref<2048xf32, #tpu.memory_space<vmem>>) target(%dma_start3A_90 : memref<2048xf32, #tpu.memory_space<hbm>>) target_semaphore(%run_scoped3A : memref<!tpu.dma_semaphore, #tpu.memory_space<semaphore_mem>>)
        %dma_wait3A = tpu.memref_slice %arg6[%mul3A_34] : memref<32768xf32, #tpu.memory_space<hbm>> -> memref<2048xf32, #tpu.memory_space<hbm>>
        %dma_wait3A_91 = tpu.memref_slice %arg6[%mul3A_34] : memref<32768xf32, #tpu.memory_space<hbm>> -> memref<2048xf32, #tpu.memory_space<hbm>>
        tpu.wait_dma2 semaphore(%run_scoped3A : memref<!tpu.dma_semaphore, #tpu.memory_space<semaphore_mem>>) src(%arg10 : memref<2048xf32, #tpu.memory_space<vmem>>) dst(%dma_wait3A_91 : memref<2048xf32, #tpu.memory_space<hbm>>)
        tpu.yield
      }) : () -> ()
      "tpu.region"() ({
        %run_scoped3A = tpu.sem_alloc : memref<!tpu.dma_semaphore, #tpu.memory_space<semaphore_mem>>
        %dma_start3A = tpu.memref_slice %arg7[%mul3A_34] : memref<32768xf32, #tpu.memory_space<hbm>> -> memref<2048xf32, #tpu.memory_space<hbm>>
        %dma_start3A_90 = tpu.memref_slice %arg7[%mul3A_34] : memref<32768xf32, #tpu.memory_space<hbm>> -> memref<2048xf32, #tpu.memory_space<hbm>>
        tpu.enqueue_dma source(%arg11 : memref<2048xf32, #tpu.memory_space<vmem>>) target(%dma_start3A_90 : memref<2048xf32, #tpu.memory_space<hbm>>) target_semaphore(%run_scoped3A : memref<!tpu.dma_semaphore, #tpu.memory_space<semaphore_mem>>)
        %dma_wait3A = tpu.memref_slice %arg7[%mul3A_34] : memref<32768xf32, #tpu.memory_space<hbm>> -> memref<2048xf32, #tpu.memory_space<hbm>>
        %dma_wait3A_91 = tpu.memref_slice %arg7[%mul3A_34] : memref<32768xf32, #tpu.memory_space<hbm>> -> memref<2048xf32, #tpu.memory_space<hbm>>
        tpu.wait_dma2 semaphore(%run_scoped3A : memref<!tpu.dma_semaphore, #tpu.memory_space<semaphore_mem>>) src(%arg11 : memref<2048xf32, #tpu.memory_space<vmem>>) dst(%dma_wait3A_91 : memref<2048xf32, #tpu.memory_space<hbm>>)
        tpu.yield
      }) : () -> ()
    } else {
    }
    %mul3A_88 = arith.constant 16 : i32
    %mul3A_89 = arith.muli %add3A, %mul3A_88 : i32
    "tpu.region"() ({
      %run_scoped3A = tpu.sem_alloc : memref<!tpu.dma_semaphore, #tpu.memory_space<semaphore_mem>>
      %dma_start3A = tpu.memref_slice %arg8[%mul3A_89] : memref<512xf32, #tpu.memory_space<hbm>> -> memref<16xf32, #tpu.memory_space<hbm>>
      %dma_start3A_90 = tpu.memref_slice %arg8[%mul3A_89] : memref<512xf32, #tpu.memory_space<hbm>> -> memref<16xf32, #tpu.memory_space<hbm>>
      tpu.enqueue_dma source(%arg12 : memref<16xf32, #tpu.memory_space<vmem>>) target(%dma_start3A_90 : memref<16xf32, #tpu.memory_space<hbm>>) target_semaphore(%run_scoped3A : memref<!tpu.dma_semaphore, #tpu.memory_space<semaphore_mem>>)
      %dma_wait3A = tpu.memref_slice %arg8[%mul3A_89] : memref<512xf32, #tpu.memory_space<hbm>> -> memref<16xf32, #tpu.memory_space<hbm>>
      %dma_wait3A_91 = tpu.memref_slice %arg8[%mul3A_89] : memref<512xf32, #tpu.memory_space<hbm>> -> memref<16xf32, #tpu.memory_space<hbm>>
      tpu.wait_dma2 semaphore(%run_scoped3A : memref<!tpu.dma_semaphore, #tpu.memory_space<semaphore_mem>>) src(%arg12 : memref<16xf32, #tpu.memory_space<vmem>>) dst(%dma_wait3A_91 : memref<16xf32, #tpu.memory_space<hbm>>)
      tpu.yield
    }) : () -> ()
    return
  }
}

module attributes {stable_mosaic.version = 14 : i64} {
  func.func @_embed_kernel(%arg0: i32, %arg1: memref<2048x1xf32, #tpu.memory_space<vmem>>, %arg2: memref<2048x1xf32, #tpu.memory_space<vmem>>, %arg3: memref<2048x1xf32, #tpu.memory_space<vmem>>, %arg4: memref<2048x1xf32, #tpu.memory_space<vmem>>, %arg5: memref<2048x1xi32, #tpu.memory_space<vmem>>, %arg6: memref<2048x1xi32, #tpu.memory_space<vmem>>, %arg7: memref<1x1x16xf32, #tpu.memory_space<vmem>>, %arg8: memref<1x1x16xf32, #tpu.memory_space<vmem>>, %arg9: memref<32768x1024xf32, #tpu.memory_space<hbm>>, %arg10: memref<384x1024xbf16, #tpu.memory_space<vmem>>, %arg11: memref<32768x1024xf32, #tpu.memory_space<hbm>>, %arg12: memref<2x1024x1024xf32, #tpu.memory_space<vmem>>, %arg13: memref<2x1024x1024xf32, #tpu.memory_space<vmem>>, %arg14: memref<2x!tpu.dma_semaphore, #tpu.memory_space<semaphore_mem>>, %arg15: memref<2x!tpu.dma_semaphore, #tpu.memory_space<semaphore_mem>>) attributes {dimension_semantics = [#tpu.dimension_semantics<arbitrary>], iteration_bounds = array<i64: 16>, scalar_prefetch = 0 : i64, scratch_operands = 4 : i64, tpu.core_type = #tpu.core_type<tc>, window_params = [{transform_indices = @transform_0, window_bounds = array<i64: 2048, 1>}, {transform_indices = @transform_1, window_bounds = array<i64: 2048, 1>}, {transform_indices = @transform_2, window_bounds = array<i64: 2048, 1>}, {transform_indices = @transform_3, window_bounds = array<i64: 2048, 1>}, {transform_indices = @transform_4, window_bounds = array<i64: 2048, 1>}, {transform_indices = @transform_5, window_bounds = array<i64: 2048, 1>}, {transform_indices = @transform_6, window_bounds = array<i64: 1, 1, 16>}, {transform_indices = @transform_7, window_bounds = array<i64: 1, 1, 16>}, {}, {pipeline_mode = #tpu.pipeline_mode<synchronous>, transform_indices = @transform_9, window_bounds = array<i64: 384, 1024>}, {}]} {
    %iota3A = tpu.iota {dimensions = array<i32: 1>} : vector<1x256xi32>
    %iota3A_0 = tpu.iota {dimensions = array<i32: 1>} : vector<1x128xi32>
    %get3A = arith.constant 0 : index
    %get3A_1 = arith.constant 0 : index
    %get3A_2 = arith.constant 0 : index
    %get3A_3 = vector.load %arg7[%get3A, %get3A_1, %get3A_2] : memref<1x1x16xf32, #tpu.memory_space<vmem>>, vector<1x1x16xf32>
    %reduce_max3A = vector.shape_cast %get3A_3 : vector<1x1x16xf32> to vector<1x1x1x16xf32>
    %reduce_max3A_4 = arith.constant dense<0xFF800000> : vector<1xf32>
    %reduce_max3A_5 = vector.multi_reduction <maximumf>, %reduce_max3A, %reduce_max3A_4 [1, 2, 3] : vector<1x1x1x16xf32> to vector<1xf32>
    %reduce_max3A_6 = vector.shape_cast %reduce_max3A_5 : vector<1xf32> to vector<1x1x1x1xf32>
    %reduce_max3A_7 = vector.extract %reduce_max3A_6[0, 0, 0, 0] : f32 from vector<1x1x1x1xf32>
    %get3A_8 = arith.constant 0 : index
    %get3A_9 = arith.constant 0 : index
    %get3A_10 = arith.constant 0 : index
    %get3A_11 = vector.load %arg8[%get3A_8, %get3A_9, %get3A_10] : memref<1x1x16xf32, #tpu.memory_space<vmem>>, vector<1x1x16xf32>
    %reduce_max3A_12 = vector.shape_cast %get3A_11 : vector<1x1x16xf32> to vector<1x1x1x16xf32>
    %reduce_max3A_13 = arith.constant dense<0xFF800000> : vector<1xf32>
    %reduce_max3A_14 = vector.multi_reduction <maximumf>, %reduce_max3A_12, %reduce_max3A_13 [1, 2, 3] : vector<1x1x1x16xf32> to vector<1xf32>
    %reduce_max3A_15 = vector.shape_cast %reduce_max3A_14 : vector<1xf32> to vector<1x1x1x1xf32>
    %reduce_max3A_16 = vector.extract %reduce_max3A_15[0, 0, 0, 0] : f32 from vector<1x1x1x1xf32>
    %jit3A = arith.constant 16 : i32
    %div3A = vector.broadcast %jit3A : i32 to vector<1x256xi32>
    %div3A_17 = arith.divsi %iota3A, %div3A : vector<1x256xi32>
    %sign3A = arith.constant 0 : i32
    %sign3A_18 = vector.broadcast %sign3A : i32 to vector<1x256xi32>
    %sign3A_19 = arith.cmpi sgt, %iota3A, %sign3A_18 : vector<1x256xi32>
    %sign3A_20 = arith.extui %sign3A_19 : vector<1x256xi1> to vector<1x256xi32>
    %sign3A_21 = arith.constant 0 : i32
    %sign3A_22 = vector.broadcast %sign3A_21 : i32 to vector<1x256xi32>
    %sign3A_23 = arith.cmpi slt, %iota3A, %sign3A_22 : vector<1x256xi32>
    %sign3A_24 = arith.extui %sign3A_23 : vector<1x256xi1> to vector<1x256xi32>
    %sign3A_25 = arith.subi %sign3A_20, %sign3A_24 : vector<1x256xi32>
    %sign3A_26 = arith.constant 0 : i32
    %sign3A_27 = arith.cmpi sgt, %jit3A, %sign3A_26 : i32
    %sign3A_28 = arith.extui %sign3A_27 : i1 to i32
    %sign3A_29 = arith.constant 0 : i32
    %sign3A_30 = arith.cmpi slt, %jit3A, %sign3A_29 : i32
    %sign3A_31 = arith.extui %sign3A_30 : i1 to i32
    %sign3A_32 = arith.subi %sign3A_28, %sign3A_31 : i32
    %ne3A = vector.broadcast %sign3A_32 : i32 to vector<1x256xi32>
    %ne3A_33 = arith.cmpi ne, %sign3A_25, %ne3A : vector<1x256xi32>
    %rem3A = vector.broadcast %jit3A : i32 to vector<1x256xi32>
    %rem3A_34 = arith.remsi %iota3A, %rem3A : vector<1x256xi32>
    %ne3A_35 = arith.constant 0 : i32
    %ne3A_36 = vector.broadcast %ne3A_35 : i32 to vector<1x256xi32>
    %ne3A_37 = arith.cmpi ne, %rem3A_34, %ne3A_36 : vector<1x256xi32>
    %and3A = arith.andi %ne3A_33, %ne3A_37 : vector<1x256xi1>
    %sub3A = arith.constant 1 : i32
    %sub3A_38 = vector.broadcast %sub3A : i32 to vector<1x256xi32>
    %sub3A_39 = arith.subi %div3A_17, %sub3A_38 : vector<1x256xi32>
    %select_n3A = arith.select %and3A, %sub3A_39, %div3A_17 : vector<1x256xi1>, vector<1x256xi32>
    %convert_element_type3A = arith.sitofp %select_n3A : vector<1x256xi32> to vector<1x256xf32>
    %mul3A = vector.broadcast %reduce_max3A_7 : f32 to vector<1x256xf32>
    %mul3A_40 = arith.mulf %convert_element_type3A, %mul3A : vector<1x256xf32>
    %jit3A_41 = arith.constant 16 : i32
    %eq3A = arith.constant 0 : i32
    %eq3A_42 = arith.cmpi eq, %jit3A_41, %eq3A : i32
    %jit3A_43 = arith.constant 1 : i32
    %select_n3A_44 = arith.select %eq3A_42, %jit3A_43, %jit3A_41 : i32
    %rem3A_45 = vector.broadcast %select_n3A_44 : i32 to vector<1x256xi32>
    %rem3A_46 = arith.remsi %iota3A, %rem3A_45 : vector<1x256xi32>
    %ne3A_47 = arith.constant 0 : i32
    %ne3A_48 = vector.broadcast %ne3A_47 : i32 to vector<1x256xi32>
    %ne3A_49 = arith.cmpi ne, %rem3A_46, %ne3A_48 : vector<1x256xi32>
    %lt3A = arith.constant 0 : i32
    %lt3A_50 = vector.broadcast %lt3A : i32 to vector<1x256xi32>
    %lt3A_51 = arith.cmpi slt, %rem3A_46, %lt3A_50 : vector<1x256xi32>
    %lt3A_52 = arith.constant 0 : i32
    %lt3A_53 = arith.cmpi slt, %select_n3A_44, %lt3A_52 : i32
    %ne3A_54 = vector.broadcast %lt3A_53 : i1 to vector<1x256xi1>
    %ne3A_55 = vector.broadcast %ne3A_54 : vector<1x256xi1> to vector<1x256xi1>
    %ne3A_56 = arith.xori %lt3A_51, %ne3A_55 : vector<1x256xi1>
    %and3A_57 = arith.andi %ne3A_56, %ne3A_49 : vector<1x256xi1>
    %add3A = vector.broadcast %select_n3A_44 : i32 to vector<1x256xi32>
    %add3A_58 = arith.addi %rem3A_46, %add3A : vector<1x256xi32>
    %select_n3A_59 = arith.select %and3A_57, %add3A_58, %rem3A_46 : vector<1x256xi1>, vector<1x256xi32>
    %convert_element_type3A_60 = arith.sitofp %select_n3A_59 : vector<1x256xi32> to vector<1x256xf32>
    %mul3A_61 = vector.broadcast %reduce_max3A_16 : f32 to vector<1x256xf32>
    %mul3A_62 = arith.mulf %convert_element_type3A_60, %mul3A_61 : vector<1x256xf32>
    %eq3A_63 = arith.constant 0 : i32
    %eq3A_64 = arith.cmpi eq, %arg0, %eq3A_63 : i32
    %convert_element_type3A_65 = arith.extui %eq3A_64 : i1 to i32
    %cond3A = arith.constant 0 : i32
    %cond3A_66 = arith.cmpi ne, %convert_element_type3A_65, %cond3A : i32
    scf.if %cond3A_66 {
      %dma_start3A = arith.constant 0 : i32
      %dma_start3A_76 = arith.constant 0 : i32
      %dma_start3A_77 = tpu.memref_slice %arg14[%dma_start3A_76] : memref<2x!tpu.dma_semaphore, #tpu.memory_space<semaphore_mem>> -> memref<1x!tpu.dma_semaphore, #tpu.memory_space<semaphore_mem>>
      %dma_start3A_78 = tpu.memref_squeeze %dma_start3A_77 : memref<1x!tpu.dma_semaphore, #tpu.memory_space<semaphore_mem>> -> memref<!tpu.dma_semaphore, #tpu.memory_space<semaphore_mem>>
      %dma_start3A_79 = arith.constant 0 : i32
      %dma_start3A_80 = arith.constant 0 : i32
      %dma_start3A_81 = tpu.memref_slice %arg12[%dma_start3A, %dma_start3A_79, %dma_start3A_80] : memref<2x1024x1024xf32, #tpu.memory_space<vmem>> -> memref<1x1024x1024xf32, #tpu.memory_space<vmem>>
      %dma_start3A_82 = tpu.memref_squeeze %dma_start3A_81 : memref<1x1024x1024xf32, #tpu.memory_space<vmem>> -> memref<1024x1024xf32, #tpu.memory_space<vmem>>
      %dma_start3A_83 = arith.constant 0 : i32
      %dma_start3A_84 = arith.constant 0 : i32
      %dma_start3A_85 = tpu.memref_slice %arg9[%dma_start3A_83, %dma_start3A_84] : memref<32768x1024xf32, #tpu.memory_space<hbm>> -> memref<1024x1024xf32, #tpu.memory_space<hbm>>
      tpu.enqueue_dma source(%dma_start3A_85 : memref<1024x1024xf32, #tpu.memory_space<hbm>>) target(%dma_start3A_82 : memref<1024x1024xf32, #tpu.memory_space<vmem>>) target_semaphore(%dma_start3A_78 : memref<!tpu.dma_semaphore, #tpu.memory_space<semaphore_mem>>)
    } else {
    }
    %scan3A = arith.constant 0 : i32
    %scan3A_67 = arith.constant 2 : i32
    %scan3A_68 = arith.addi %scan3A, %scan3A_67 : i32
    %scan3A_69 = arith.constant 1 : i32
    scf.for %scan3A_76 = %scan3A to %scan3A_68 step %scan3A_69  : i32 {
      %mul3A_77 = arith.constant 2 : i32
      %mul3A_78 = arith.muli %arg0, %mul3A_77 : i32
      %add3A_79 = arith.addi %mul3A_78, %scan3A_76 : i32
      %rem3A_80 = arith.constant 2 : i32
      %rem3A_81 = arith.remsi %scan3A_76, %rem3A_80 : i32
      %sub3A_82 = arith.constant 1 : i32
      %sub3A_83 = arith.subi %sub3A_82, %rem3A_81 : i32
      %add3A_84 = arith.constant 1 : i32
      %add3A_85 = arith.addi %add3A_79, %add3A_84 : i32
      %lt3A_86 = arith.constant 32 : i32
      %lt3A_87 = arith.cmpi slt, %add3A_85, %lt3A_86 : i32
      %convert_element_type3A_88 = arith.extui %lt3A_87 : i1 to i32
      %cond3A_89 = arith.constant 0 : i32
      %cond3A_90 = arith.cmpi ne, %convert_element_type3A_88, %cond3A_89 : i32
      scf.if %cond3A_90 {
        %add3A_185 = arith.constant 1 : i32
        %add3A_186 = arith.addi %add3A_79, %add3A_185 : i32
        %mul3A_187 = arith.constant 1024 : i32
        %mul3A_188 = arith.muli %add3A_186, %mul3A_187 : i32
        %dma_start3A_189 = tpu.memref_slice %arg14[%sub3A_83] : memref<2x!tpu.dma_semaphore, #tpu.memory_space<semaphore_mem>> -> memref<1x!tpu.dma_semaphore, #tpu.memory_space<semaphore_mem>>
        %dma_start3A_190 = tpu.memref_squeeze %dma_start3A_189 : memref<1x!tpu.dma_semaphore, #tpu.memory_space<semaphore_mem>> -> memref<!tpu.dma_semaphore, #tpu.memory_space<semaphore_mem>>
        %dma_start3A_191 = arith.constant 0 : i32
        %dma_start3A_192 = arith.constant 0 : i32
        %dma_start3A_193 = tpu.memref_slice %arg12[%sub3A_83, %dma_start3A_191, %dma_start3A_192] : memref<2x1024x1024xf32, #tpu.memory_space<vmem>> -> memref<1x1024x1024xf32, #tpu.memory_space<vmem>>
        %dma_start3A_194 = tpu.memref_squeeze %dma_start3A_193 : memref<1x1024x1024xf32, #tpu.memory_space<vmem>> -> memref<1024x1024xf32, #tpu.memory_space<vmem>>
        %dma_start3A_195 = arith.constant 0 : i32
        %dma_start3A_196 = tpu.memref_slice %arg9[%mul3A_188, %dma_start3A_195] : memref<32768x1024xf32, #tpu.memory_space<hbm>> -> memref<1024x1024xf32, #tpu.memory_space<hbm>>
        tpu.enqueue_dma source(%dma_start3A_196 : memref<1024x1024xf32, #tpu.memory_space<hbm>>) target(%dma_start3A_194 : memref<1024x1024xf32, #tpu.memory_space<vmem>>) target_semaphore(%dma_start3A_190 : memref<!tpu.dma_semaphore, #tpu.memory_space<semaphore_mem>>)
      } else {
      }
      %mul3A_91 = arith.constant 1024 : i32
      %mul3A_92 = arith.muli %scan3A_76, %mul3A_91 : i32
      %get3A_93 = arith.index_cast %mul3A_92 : i32 to index
      %get3A_94 = arith.constant 0 : index
      %get3A_95 = vector.load %arg1[%get3A_93, %get3A_94] : memref<2048x1xf32, #tpu.memory_space<vmem>>, vector<1024x1xf32>
      %get3A_96 = arith.index_cast %mul3A_92 : i32 to index
      %get3A_97 = arith.constant 0 : index
      %get3A_98 = vector.load %arg3[%get3A_96, %get3A_97] : memref<2048x1xf32, #tpu.memory_space<vmem>>, vector<1024x1xf32>
      %get3A_99 = arith.index_cast %mul3A_92 : i32 to index
      %get3A_100 = arith.constant 0 : index
      %get3A_101 = vector.load %arg2[%get3A_99, %get3A_100] : memref<2048x1xf32, #tpu.memory_space<vmem>>, vector<1024x1xf32>
      %get3A_102 = arith.index_cast %mul3A_92 : i32 to index
      %get3A_103 = arith.constant 0 : index
      %get3A_104 = vector.load %arg4[%get3A_102, %get3A_103] : memref<2048x1xf32, #tpu.memory_space<vmem>>, vector<1024x1xf32>
      %get3A_105 = arith.index_cast %mul3A_92 : i32 to index
      %get3A_106 = arith.constant 0 : index
      %get3A_107 = vector.load %arg5[%get3A_105, %get3A_106] : memref<2048x1xi32, #tpu.memory_space<vmem>>, vector<1024x1xi32>
      %get3A_108 = arith.index_cast %mul3A_92 : i32 to index
      %get3A_109 = arith.constant 0 : index
      %get3A_110 = vector.load %arg6[%get3A_108, %get3A_109] : memref<2048x1xi32, #tpu.memory_space<vmem>>, vector<1024x1xi32>
      %sub3A_111 = vector.broadcast %get3A_95 : vector<1024x1xf32> to vector<1024x256xf32>
      %sub3A_112 = vector.broadcast %mul3A_40 : vector<1x256xf32> to vector<1024x256xf32>
      %sub3A_113 = arith.subf %sub3A_111, %sub3A_112 : vector<1024x256xf32>
      %convert_element_type3A_114 = arith.truncf %sub3A_113 : vector<1024x256xf32> to vector<1024x256xbf16>
      %sub3A_115 = vector.broadcast %get3A_98 : vector<1024x1xf32> to vector<1024x256xf32>
      %sub3A_116 = vector.broadcast %mul3A_62 : vector<1x256xf32> to vector<1024x256xf32>
      %sub3A_117 = arith.subf %sub3A_115, %sub3A_116 : vector<1024x256xf32>
      %convert_element_type3A_118 = arith.truncf %sub3A_117 : vector<1024x256xf32> to vector<1024x256xbf16>
      %abs3A = math.absf %convert_element_type3A_114 : vector<1024x256xbf16>
      %sub3A_119 = arith.constant 1.000000e+00 : bf16
      %sub3A_120 = vector.broadcast %sub3A_119 : bf16 to vector<1024x256xbf16>
      %sub3A_121 = arith.subf %sub3A_120, %abs3A : vector<1024x256xbf16>
      %max3A = arith.constant 0.000000e+00 : bf16
      %max3A_122 = vector.broadcast %max3A : bf16 to vector<1024x256xbf16>
      %max3A_123 = arith.maximumf %max3A_122, %sub3A_121 : vector<1024x256xbf16>
      %abs3A_124 = math.absf %convert_element_type3A_118 : vector<1024x256xbf16>
      %sub3A_125 = arith.constant 1.000000e+00 : bf16
      %sub3A_126 = vector.broadcast %sub3A_125 : bf16 to vector<1024x256xbf16>
      %sub3A_127 = arith.subf %sub3A_126, %abs3A_124 : vector<1024x256xbf16>
      %max3A_128 = arith.constant 0.000000e+00 : bf16
      %max3A_129 = vector.broadcast %max3A_128 : bf16 to vector<1024x256xbf16>
      %max3A_130 = arith.maximumf %max3A_129, %sub3A_127 : vector<1024x256xbf16>
      %mul3A_131 = arith.mulf %max3A_123, %max3A_130 : vector<1024x256xbf16>
      %mul3A_132 = arith.mulf %get3A_101, %get3A_104 : vector<1024x1xf32>
      %convert_element_type3A_133 = arith.truncf %mul3A_132 : vector<1024x1xf32> to vector<1024x1xbf16>
      %mul3A_134 = vector.broadcast %convert_element_type3A_133 : vector<1024x1xbf16> to vector<1024x256xbf16>
      %mul3A_135 = arith.mulf %mul3A_131, %mul3A_134 : vector<1024x256xbf16>
      %eq3A_136 = vector.broadcast %iota3A_0 : vector<1x128xi32> to vector<1024x128xi32>
      %eq3A_137 = vector.broadcast %get3A_107 : vector<1024x1xi32> to vector<1024x128xi32>
      %eq3A_138 = arith.cmpi eq, %eq3A_136, %eq3A_137 : vector<1024x128xi32>
      %sub3A_139 = arith.constant 32 : i32
      %sub3A_140 = vector.broadcast %sub3A_139 : i32 to vector<1x128xi32>
      %sub3A_141 = arith.subi %iota3A_0, %sub3A_140 : vector<1x128xi32>
      %eq3A_142 = vector.broadcast %sub3A_141 : vector<1x128xi32> to vector<1024x128xi32>
      %eq3A_143 = vector.broadcast %get3A_110 : vector<1024x1xi32> to vector<1024x128xi32>
      %eq3A_144 = arith.cmpi eq, %eq3A_142, %eq3A_143 : vector<1024x128xi32>
      %or3A = arith.ori %eq3A_138, %eq3A_144 : vector<1024x128xi1>
      %convert_element_type3A_145 = arith.extui %or3A : vector<1024x128xi1> to vector<1024x128xi32>
      %convert_element_type3A_146 = arith.sitofp %convert_element_type3A_145 : vector<1024x128xi32> to vector<1024x128xf32>
      %convert_element_type3A_147 = arith.truncf %convert_element_type3A_146 : vector<1024x128xf32> to vector<1024x128xbf16>
      %concatenate3A = tpu.concatenate %mul3A_135, %convert_element_type3A_147 in 1 : vector<1024x256xbf16>, vector<1024x128xbf16> -> vector<1024x384xbf16>
      %get3A_148 = arith.constant 0 : index
      %get3A_149 = arith.constant 0 : index
      %get3A_150 = vector.load %arg10[%get3A_148, %get3A_149] : memref<384x1024xbf16, #tpu.memory_space<vmem>>, vector<384x1024xbf16>
      %dot_general3A = arith.constant dense<0.000000e+00> : vector<1024x1024xf32>
      %dot_general3A_151 = tpu.matmul %concatenate3A, %get3A_150, %dot_general3A {dimension_numbers = #tpu.dot_dimension_numbers<[1], [0], [0], [1], [0, 0, 1, 1], [], []>, transpose_lhs_hint = false} : vector<1024x384xbf16>, vector<384x1024xbf16>, vector<1024x1024xf32> -> vector<1024x1024xf32>
      %mul3A_152 = arith.constant 1024 : i32
      %mul3A_153 = arith.muli %add3A_79, %mul3A_152 : i32
      %dma_wait3A = tpu.memref_slice %arg14[%rem3A_81] : memref<2x!tpu.dma_semaphore, #tpu.memory_space<semaphore_mem>> -> memref<1x!tpu.dma_semaphore, #tpu.memory_space<semaphore_mem>>
      %dma_wait3A_154 = tpu.memref_squeeze %dma_wait3A : memref<1x!tpu.dma_semaphore, #tpu.memory_space<semaphore_mem>> -> memref<!tpu.dma_semaphore, #tpu.memory_space<semaphore_mem>>
      %dma_wait3A_155 = arith.constant 0 : i32
      %dma_wait3A_156 = arith.constant 0 : i32
      %dma_wait3A_157 = tpu.memref_slice %arg12[%rem3A_81, %dma_wait3A_155, %dma_wait3A_156] : memref<2x1024x1024xf32, #tpu.memory_space<vmem>> -> memref<1x1024x1024xf32, #tpu.memory_space<vmem>>
      %dma_wait3A_158 = tpu.memref_squeeze %dma_wait3A_157 : memref<1x1024x1024xf32, #tpu.memory_space<vmem>> -> memref<1024x1024xf32, #tpu.memory_space<vmem>>
      %dma_wait3A_159 = arith.constant 0 : i32
      %dma_wait3A_160 = tpu.memref_slice %arg9[%mul3A_153, %dma_wait3A_159] : memref<32768x1024xf32, #tpu.memory_space<hbm>> -> memref<1024x1024xf32, #tpu.memory_space<hbm>>
      tpu.wait_dma2 semaphore(%dma_wait3A_154 : memref<!tpu.dma_semaphore, #tpu.memory_space<semaphore_mem>>) src(%dma_wait3A_160 : memref<1024x1024xf32, #tpu.memory_space<hbm>>) dst(%dma_wait3A_158 : memref<1024x1024xf32, #tpu.memory_space<vmem>>)
      %ge3A = arith.constant 2 : i32
      %ge3A_161 = arith.cmpi sge, %add3A_79, %ge3A : i32
      %convert_element_type3A_162 = arith.extui %ge3A_161 : i1 to i32
      %cond3A_163 = arith.constant 0 : i32
      %cond3A_164 = arith.cmpi ne, %convert_element_type3A_162, %cond3A_163 : i32
      scf.if %cond3A_164 {
        %sub3A_185 = arith.constant 2 : i32
        %sub3A_186 = arith.subi %add3A_79, %sub3A_185 : i32
        %mul3A_187 = arith.constant 1024 : i32
        %mul3A_188 = arith.muli %sub3A_186, %mul3A_187 : i32
        %dma_wait3A_189 = tpu.memref_slice %arg15[%rem3A_81] : memref<2x!tpu.dma_semaphore, #tpu.memory_space<semaphore_mem>> -> memref<1x!tpu.dma_semaphore, #tpu.memory_space<semaphore_mem>>
        %dma_wait3A_190 = tpu.memref_squeeze %dma_wait3A_189 : memref<1x!tpu.dma_semaphore, #tpu.memory_space<semaphore_mem>> -> memref<!tpu.dma_semaphore, #tpu.memory_space<semaphore_mem>>
        %dma_wait3A_191 = arith.constant 0 : i32
        %dma_wait3A_192 = tpu.memref_slice %arg11[%mul3A_188, %dma_wait3A_191] : memref<32768x1024xf32, #tpu.memory_space<hbm>> -> memref<1024x1024xf32, #tpu.memory_space<hbm>>
        %dma_wait3A_193 = arith.constant 0 : i32
        %dma_wait3A_194 = arith.constant 0 : i32
        %dma_wait3A_195 = tpu.memref_slice %arg13[%rem3A_81, %dma_wait3A_193, %dma_wait3A_194] : memref<2x1024x1024xf32, #tpu.memory_space<vmem>> -> memref<1x1024x1024xf32, #tpu.memory_space<vmem>>
        %dma_wait3A_196 = tpu.memref_squeeze %dma_wait3A_195 : memref<1x1024x1024xf32, #tpu.memory_space<vmem>> -> memref<1024x1024xf32, #tpu.memory_space<vmem>>
        tpu.wait_dma2 semaphore(%dma_wait3A_190 : memref<!tpu.dma_semaphore, #tpu.memory_space<semaphore_mem>>) src(%dma_wait3A_196 : memref<1024x1024xf32, #tpu.memory_space<vmem>>) dst(%dma_wait3A_192 : memref<1024x1024xf32, #tpu.memory_space<hbm>>)
      } else {
      }
      %get3A_165 = arith.index_cast %rem3A_81 : i32 to index
      %get3A_166 = arith.constant 0 : index
      %get3A_167 = arith.constant 0 : index
      %get3A_168 = vector.load %arg12[%get3A_165, %get3A_166, %get3A_167] : memref<2x1024x1024xf32, #tpu.memory_space<vmem>>, vector<1x1024x1024xf32>
      %get3A_169 = vector.shape_cast %get3A_168 : vector<1x1024x1024xf32> to vector<1024x1024xf32>
      %add3A_170 = arith.addf %get3A_169, %dot_general3A_151 : vector<1024x1024xf32>
      %swap3A = arith.index_cast %rem3A_81 : i32 to index
      %swap3A_171 = arith.constant 0 : index
      %swap3A_172 = arith.constant 0 : index
      %swap3A_173 = vector.load %arg13[%swap3A, %swap3A_171, %swap3A_172] : memref<2x1024x1024xf32, #tpu.memory_space<vmem>>, vector<1x1024x1024xf32>
      %swap3A_174 = vector.shape_cast %swap3A_173 : vector<1x1024x1024xf32> to vector<1024x1024xf32>
      %swap3A_175 = vector.shape_cast %add3A_170 : vector<1024x1024xf32> to vector<1x1024x1024xf32>
      tpu.vector_store %arg13[%swap3A, %swap3A_171, %swap3A_172], %swap3A_175 {strides = array<i32>} : memref<2x1024x1024xf32, #tpu.memory_space<vmem>>, vector<1x1024x1024xf32>,
      %mul3A_176 = arith.constant 1024 : i32
      %mul3A_177 = arith.muli %add3A_79, %mul3A_176 : i32
      %dma_start3A = tpu.memref_slice %arg15[%rem3A_81] : memref<2x!tpu.dma_semaphore, #tpu.memory_space<semaphore_mem>> -> memref<1x!tpu.dma_semaphore, #tpu.memory_space<semaphore_mem>>
      %dma_start3A_178 = tpu.memref_squeeze %dma_start3A : memref<1x!tpu.dma_semaphore, #tpu.memory_space<semaphore_mem>> -> memref<!tpu.dma_semaphore, #tpu.memory_space<semaphore_mem>>
      %dma_start3A_179 = arith.constant 0 : i32
      %dma_start3A_180 = tpu.memref_slice %arg11[%mul3A_177, %dma_start3A_179] : memref<32768x1024xf32, #tpu.memory_space<hbm>> -> memref<1024x1024xf32, #tpu.memory_space<hbm>>
      %dma_start3A_181 = arith.constant 0 : i32
      %dma_start3A_182 = arith.constant 0 : i32
      %dma_start3A_183 = tpu.memref_slice %arg13[%rem3A_81, %dma_start3A_181, %dma_start3A_182] : memref<2x1024x1024xf32, #tpu.memory_space<vmem>> -> memref<1x1024x1024xf32, #tpu.memory_space<vmem>>
      %dma_start3A_184 = tpu.memref_squeeze %dma_start3A_183 : memref<1x1024x1024xf32, #tpu.memory_space<vmem>> -> memref<1024x1024xf32, #tpu.memory_space<vmem>>
      tpu.enqueue_dma source(%dma_start3A_184 : memref<1024x1024xf32, #tpu.memory_space<vmem>>) target(%dma_start3A_180 : memref<1024x1024xf32, #tpu.memory_space<hbm>>) target_semaphore(%dma_start3A_178 : memref<!tpu.dma_semaphore, #tpu.memory_space<semaphore_mem>>)
    }
    %scan3A_70 = arith.constant 2 : i32
    %eq3A_71 = arith.constant 15 : i32
    %eq3A_72 = arith.cmpi eq, %arg0, %eq3A_71 : i32
    %convert_element_type3A_73 = arith.extui %eq3A_72 : i1 to i32
    %cond3A_74 = arith.constant 0 : i32
    %cond3A_75 = arith.cmpi ne, %convert_element_type3A_73, %cond3A_74 : i32
    scf.if %cond3A_75 {
      %rem3A_76 = arith.constant 30 : i32
      %rem3A_77 = arith.constant 2 : i32
      %rem3A_78 = arith.remsi %rem3A_76, %rem3A_77 : i32
      %dma_wait3A = tpu.memref_slice %arg15[%rem3A_78] : memref<2x!tpu.dma_semaphore, #tpu.memory_space<semaphore_mem>> -> memref<1x!tpu.dma_semaphore, #tpu.memory_space<semaphore_mem>>
      %dma_wait3A_79 = tpu.memref_squeeze %dma_wait3A : memref<1x!tpu.dma_semaphore, #tpu.memory_space<semaphore_mem>> -> memref<!tpu.dma_semaphore, #tpu.memory_space<semaphore_mem>>
      %dma_wait3A_80 = arith.constant 30720 : i32
      %dma_wait3A_81 = arith.constant 0 : i32
      %dma_wait3A_82 = tpu.memref_slice %arg11[%dma_wait3A_80, %dma_wait3A_81] : memref<32768x1024xf32, #tpu.memory_space<hbm>> -> memref<1024x1024xf32, #tpu.memory_space<hbm>>
      %dma_wait3A_83 = arith.constant 0 : i32
      %dma_wait3A_84 = arith.constant 0 : i32
      %dma_wait3A_85 = tpu.memref_slice %arg13[%rem3A_78, %dma_wait3A_83, %dma_wait3A_84] : memref<2x1024x1024xf32, #tpu.memory_space<vmem>> -> memref<1x1024x1024xf32, #tpu.memory_space<vmem>>
      %dma_wait3A_86 = tpu.memref_squeeze %dma_wait3A_85 : memref<1x1024x1024xf32, #tpu.memory_space<vmem>> -> memref<1024x1024xf32, #tpu.memory_space<vmem>>
      tpu.wait_dma2 semaphore(%dma_wait3A_79 : memref<!tpu.dma_semaphore, #tpu.memory_space<semaphore_mem>>) src(%dma_wait3A_86 : memref<1024x1024xf32, #tpu.memory_space<vmem>>) dst(%dma_wait3A_82 : memref<1024x1024xf32, #tpu.memory_space<hbm>>)
      %rem3A_87 = arith.constant 31 : i32
      %rem3A_88 = arith.constant 2 : i32
      %rem3A_89 = arith.remsi %rem3A_87, %rem3A_88 : i32
      %dma_wait3A_90 = tpu.memref_slice %arg15[%rem3A_89] : memref<2x!tpu.dma_semaphore, #tpu.memory_space<semaphore_mem>> -> memref<1x!tpu.dma_semaphore, #tpu.memory_space<semaphore_mem>>
      %dma_wait3A_91 = tpu.memref_squeeze %dma_wait3A_90 : memref<1x!tpu.dma_semaphore, #tpu.memory_space<semaphore_mem>> -> memref<!tpu.dma_semaphore, #tpu.memory_space<semaphore_mem>>
      %dma_wait3A_92 = arith.constant 31744 : i32
      %dma_wait3A_93 = arith.constant 0 : i32
      %dma_wait3A_94 = tpu.memref_slice %arg11[%dma_wait3A_92, %dma_wait3A_93] : memref<32768x1024xf32, #tpu.memory_space<hbm>> -> memref<1024x1024xf32, #tpu.memory_space<hbm>>
      %dma_wait3A_95 = arith.constant 0 : i32
      %dma_wait3A_96 = arith.constant 0 : i32
      %dma_wait3A_97 = tpu.memref_slice %arg13[%rem3A_89, %dma_wait3A_95, %dma_wait3A_96] : memref<2x1024x1024xf32, #tpu.memory_space<vmem>> -> memref<1x1024x1024xf32, #tpu.memory_space<vmem>>
      %dma_wait3A_98 = tpu.memref_squeeze %dma_wait3A_97 : memref<1x1024x1024xf32, #tpu.memory_space<vmem>> -> memref<1024x1024xf32, #tpu.memory_space<vmem>>
      tpu.wait_dma2 semaphore(%dma_wait3A_91 : memref<!tpu.dma_semaphore, #tpu.memory_space<semaphore_mem>>) src(%dma_wait3A_98 : memref<1024x1024xf32, #tpu.memory_space<vmem>>) dst(%dma_wait3A_94 : memref<1024x1024xf32, #tpu.memory_space<hbm>>)
    } else {
    }
    return
  }
  func.func @transform_0(%arg0: i32) -> (i32, i32) {
    %c0_i32 = arith.constant 0 : i32
    %c0_i32_0 = arith.constant 0 : i32
    return %arg0, %c0_i32 : i32, i32
  }
  func.func @transform_1(%arg0: i32) -> (i32, i32) {
    %c0_i32 = arith.constant 0 : i32
    %c0_i32_0 = arith.constant 0 : i32
    return %arg0, %c0_i32 : i32, i32
  }
  func.func @transform_2(%arg0: i32) -> (i32, i32) {
    %c0_i32 = arith.constant 0 : i32
    %c0_i32_0 = arith.constant 0 : i32
    return %arg0, %c0_i32 : i32, i32
  }
  func.func @transform_3(%arg0: i32) -> (i32, i32) {
    %c0_i32 = arith.constant 0 : i32
    %c0_i32_0 = arith.constant 0 : i32
    return %arg0, %c0_i32 : i32, i32
  }
  func.func @transform_4(%arg0: i32) -> (i32, i32) {
    %c0_i32 = arith.constant 0 : i32
    %c0_i32_0 = arith.constant 0 : i32
    return %arg0, %c0_i32 : i32, i32
  }
  func.func @transform_5(%arg0: i32) -> (i32, i32) {
    %c0_i32 = arith.constant 0 : i32
    %c0_i32_0 = arith.constant 0 : i32
    return %arg0, %c0_i32 : i32, i32
  }
  func.func @transform_6(%arg0: i32) -> (i32, i32, i32) {
    %c0_i32 = arith.constant 0 : i32
    %c0_i32_0 = arith.constant 0 : i32
    %c0_i32_1 = arith.constant 0 : i32
    return %arg0, %c0_i32, %c0_i32_0 : i32, i32, i32
  }
  func.func @transform_7(%arg0: i32) -> (i32, i32, i32) {
    %c0_i32 = arith.constant 0 : i32
    %c0_i32_0 = arith.constant 0 : i32
    %c0_i32_1 = arith.constant 0 : i32
    return %arg0, %c0_i32, %c0_i32_0 : i32, i32, i32
  }
  func.func @transform_9(%arg0: i32) -> (i32, i32) {
    %c0_i32 = arith.constant 0 : i32
    %c0_i32_0 = arith.constant 0 : i32
    %c0_i32_1 = arith.constant 0 : i32
    return %c0_i32, %c0_i32_0 : i32, i32
  }
}

</mosaic_0001>

<sc_bundles>
// kernel: kernel.4.cloned.1.call-start
scs
__scs_entry_jumppad:
0x0: {  	(pc) =	sbr.rel $0x88, $3  }
0x1: {  	(tag) =	ssettag $0x0;
	lr =	simm.s32 $0x1  }
0x2: {  	[smem:$0x3F9C] =	sst lr;
	_ =	strace $0xD0000000  }
0x3: {  	_ = 	snop  }
0x4: {  	_ = 	snop  }
0x5: {  	_ = 	snop  }
0x6: {  	_ = 	snop  }
0x7: {  	_ = 	snop  }
__scs_overlays_trampoline_lowered:
0x8: {  	[smem:$0x3FAB] =	sst s0  }
0x9: {  	[smem:$0x3FAC] =	sst s1  }
0xa: {  	[smem:$0x3FAD] =	sst s2  }
0xb: {  	[smem:$0x3FAE] =	sst s3  }
0xc: {  	[smem:$0x3FAF] =	sst s4  }
0xd: {  	[smem:$0x3FB0] =	sst s5  }
0xe: {  	[smem:$0x3FB1] =	sst s6  }
0xf: {  	[smem:$0x3FB2] =	sst s7  }
0x10: {  	[smem:$0x3FB3] =	sst s8  }
0x11: {  	[smem:$0x3FB4] =	sst s9;
	s0 =	simm.s32 @!p0 $0x0  }
0x12: {  	s1 =	sld [smem:$0x3F9A];
	s0 =	simm.s32 @p0 $0x1  }
0x13: {  	[smem:$0x3FB5] =	sst s0;
	s0 =	simm.s32 @!p1 $0x0  }
0x14: {  	s2 =	sld [smem:$0x3F99];
	s0 =	simm.s32 @p1 $0x1  }
0x15: {  	[smem:$0x3FB6] =	sst s0;
	s0 =	simm.s32 @!p2 $0x0  }
0x16: {  	s3 =	sld [smem:$0x3FDB];
	s0 =	simm.s32 @p2 $0x1  }
0x17: {  	s4 =	simm.s32 $0x1BF5;
	[smem:$0x3FB8] =	sst s0  }
0x18: {  	s0 =	sld [smem:$0x3F9B];
	_ =	swait.ge [sflag:s4], $0x0  }
0x19: {  	s7 =	sld [smem:$0x3F9C]  }
0x1a: {  	s8 =	sadd.s32 $0xFFFFE003, lr  }
0x1b: {  	s9 =	sadd.s32 $0xFFFFFEF7, lr;
	s5 =	simm.s32 $0xFFFFFFFF;
	p2 =	slt.u32 s8, $0xFFFFF086  }
0x1c: {  	p1 =	slt.u32 s9, $0xF7A;
	s5 =	simm.s32 @!p2 $0x0  }
0x1d: {  	s5 =	simm.s32 @p1 $0x1;
	p0 =	seq.s32 s7, s2  }
0x1e: {  	s7 =	smul.u32 @!p0 $0xF7A, s2;
	p2 =	seq.s32 @!p0 s5, $0x0  }
0x1f: {  	s9 =	smul.u32 $0xF7A, s1;
	s8 =	simm.s32 @!p0 $0x1BF5;
	p2 =	por !p2, p0  }
0x20: {  	[sflag:s8] =	ssyncset.s32 @!p0 $0xFFFFF086;
	s6 =	sadd.s32 @!p0 s3, s7;
	s7 =	simm.s32 @!p0 $0x108  }
0x21: {  	s3 =	sadd.s32 s3, s9;
	s6 =	sadd.s32 @!p0 $0x88, s6;
	s7 =	simm.s32 @p2 $0x1082  }
0x22: {  	[simem:s7], [sflag:s8] =	dma.local @!p0 [hbm:s6], $0xF7A  }
0x23: {  	s9 =	sor.u32 $0xD0000000, s2;
	s6 =	simm.s32 $0x108;
	_ =	swait.ge @!p0 [sflag:s8], $0x0  }
0x24: {  	s3 =	sadd.s32 $0x88, s3;
	s6 =	simm.s32 @!p1 $0x1082;
	[sflag:s4] =	ssyncset.s32 $0xFFFFF086  }
0x25: {  	[simem:s6], [sflag:s4] =	dma.local [hbm:s3], $0xF7A  }
0x26: {  	[smem:$0x3F9C] =	sst s1;
	(tag) =	ssettag s2;
	_ =	strace s9  }
0x27: {  	s1 =	sld [smem:$0x3FAC]  }
0x28: {  	s2 =	sld [smem:$0x3FAD]  }
0x29: {  	s4 =	sld [smem:$0x3FAF]  }
0x2a: {  	p0 =	seq.s32 s5, $0x0;
	s5 =	sld [smem:$0x3FB0]  }
0x2b: {  	s6 =	sld [smem:$0x3FB1]  }
0x2c: {  	s7 =	sld [smem:$0x3FB2]  }
0x2d: {  	s3 =	simm.s32 $0x108;
	s8 =	sld [smem:$0x3FB3]  }
0x2e: {  	s3 =	simm.s32 @!p0 $0x1082;
	s9 =	sld [smem:$0x3FB4]  }
0x2f: {  	lr =	sadd.s32 s0, s3;
	s0 =	sld [smem:$0x3FAB]  }
0x30: {  	s3 =	sld [smem:$0x3FAE]  }
0x31: {  	[smem:$0x3FB7] =	sst s10  }
0x32: {  	s10 =	sld [smem:$0x3FB5];
	_ =	sdelay $0x3  }
0x33: {  	p0 =	seq.s32 s10, $0x1;
	s10 =	sld [smem:$0x3FB7];
	_ =	sdelay $0x3  }
0x34: {  	[smem:$0x3FB7] =	sst s10  }
0x35: {  	s10 =	sld [smem:$0x3FB6];
	_ =	sdelay $0x3  }
0x36: {  	p1 =	seq.s32 s10, $0x1;
	s10 =	sld [smem:$0x3FB7];
	_ =	sdelay $0x3  }
0x37: {  	[smem:$0x3FB7] =	sst s10  }
0x38: {  	s10 =	sld [smem:$0x3FB8]  }
0x39: {  	_ = 	snop;
	(pc) =	sbr.ind lr, $3  }
0x3a: {  	_ = 	snop  }
0x3b: {  	_ = 	snop  }
0x3c: {  	p2 =	seq.s32 s10, $0x1;
	s10 =	sld [smem:$0x3FB7]  }
0x3d: {  	_ =	shalt  }
0x3e: {  	_ =	shalt  }
0x3f: {  	_ =	shalt  }
0x40: {  	_ =	shalt  }
0x41: {  	_ =	shalt  }
0x42: {  	_ =	shalt  }
0x43: {  	_ =	shalt  }
0x44: {  	_ =	shalt  }
0x45: {  	_ =	shalt  }
0x46: {  	_ =	shalt  }
0x47: {  	_ =	shalt  }
0x48: {  	_ =	shalt  }
0x49: {  	_ =	shalt  }
0x4a: {  	_ =	shalt  }
0x4b: {  	_ =	shalt  }
0x4c: {  	_ =	shalt  }
0x4d: {  	_ =	shalt  }
0x4e: {  	_ =	shalt  }
0x4f: {  	_ =	shalt  }
0x50: {  	_ =	shalt  }
0x51: {  	_ =	shalt  }
0x52: {  	_ =	shalt  }
0x53: {  	_ =	shalt  }
0x54: {  	_ =	shalt  }
0x55: {  	_ =	shalt  }
0x56: {  	_ =	shalt  }
0x57: {  	_ =	shalt  }
0x58: {  	_ =	shalt  }
0x59: {  	_ =	shalt  }
0x5a: {  	_ =	shalt  }
0x5b: {  	_ =	shalt  }
0x5c: {  	_ =	shalt  }
0x5d: {  	_ =	shalt  }
0x5e: {  	_ =	shalt  }
0x5f: {  	_ =	shalt  }
0x60: {  	_ =	shalt  }
0x61: {  	_ =	shalt  }
0x62: {  	_ =	shalt  }
0x63: {  	_ =	shalt  }
0x64: {  	_ =	shalt  }
0x65: {  	_ =	shalt  }
0x66: {  	_ =	shalt  }
0x67: {  	_ =	shalt  }
0x68: {  	_ =	shalt  }
0x69: {  	_ =	shalt  }
0x6a: {  	_ =	shalt  }
0x6b: {  	_ =	shalt  }
0x6c: {  	_ =	shalt  }
0x6d: {  	_ =	shalt  }
0x6e: {  	_ =	shalt  }
0x6f: {  	_ =	shalt  }
0x70: {  	_ =	shalt  }
0x71: {  	_ =	shalt  }
0x72: {  	_ =	shalt  }
0x73: {  	_ =	shalt  }
0x74: {  	_ =	shalt  }
0x75: {  	_ =	shalt  }
0x76: {  	_ =	shalt  }
0x77: {  	_ =	shalt  }
0x78: {  	_ =	shalt  }
0x79: {  	_ =	shalt  }
0x7a: {  	_ =	shalt  }
0x7b: {  	_ =	shalt  }
0x7c: {  	_ =	shalt  }
0x7d: {  	_ =	shalt  }
0x7e: {  	_ =	shalt  }
0x7f: {  	_ =	shalt  }
0x80: {  	_ =	shalt  }
0x81: {  	_ =	shalt  }
0x82: {  	_ =	shalt  }
0x83: {  	_ =	shalt  }
0x84: {  	_ =	shalt  }
0x85: {  	_ =	shalt  }
0x86: {  	_ =	shalt  }
0x87: {  	_ =	shalt  }
.Lfunc_end0:
.L_simem_size_0:
called_computation_lowered:
.L_overlay_start_0:
0x88: {  	s2 =	sld [smem:$0x3FD9]  }
0x89: {  	s3 =	sld [smem:$0x3FFE];
	_ =	sdelay $0x1  }
0x8a: {  	s1 =	srdreg.scid  }
0x8b: {  	s0 =	sand.u32 $0x1, s1  }
0x8c: {  	s17 =	sshll.u32 s0, $0xA;
	s2 =	sadd.s32 s3, s2  }
0x8d: {  	s2 =	sadd.s32 s2, s17  }
0x8e: {  	[smem:$0x3FC3] =	sst s2  }
0x8f: {  	_ = 	snop  }
0x90: {  	s2 =	sld [smem:$0x3FD0];
	(tm) =	ssettm $0x1  }
0x91: {  	s18 =	sld [smem:$0x3FFB];
	_ =	sdelay $0x3  }
0x92: {  	_ =	strace s18  }
0x93: {  	s3 =	sld [smem:$0x3FFC];
	_ =	sdelay $0x3  }
0x94: {  	_ =	strace s3  }
0x95: {  	s3 =	sld [smem:$0x3FFD];
	_ =	sdelay $0x3  }
0x96: {  	_ =	strace s3  }
0x97: {  	_ =	strace $0x8FFFFFFF  }
0x98: {  	s19 =	sld [smem:$0x3FDB];
	_ =	sdelay $0x1  }
0x99: {  	s4 =	simm.s32 $_scs_section_size  }
0x9a: {  	s5 =	simm.s32 $_size__tile_overlayer_lowered;
	s6 =	simm.s32 $_tile_overlayer_lowered  }
0x9b: {  	s22 =	simm.s32 $0x1BFF;
	s21 =	sshll.u32 s6, $0x1;
	s3 =	sadd.s32 s4, s19  }
0x9c: {  	s7 =	simm.s32 $0x0;
	s20 =	sshll.u32 s5, $0x1;
	s5 =	sadd.s32 s21, s3  }
0x9d: {  	[timem:s7], [sflag:s22] =	dma.local [hbm:s5], s20  }
0x9e: {  	_ =	swait.ge [sflag:s22], s20  }
0x9f: {  	s4 =	ssub.s32 $0x0, s20;
	[sflag:s22] =	ssyncset.done $0x0  }
0xa0: {  	[sflag:s22] =	ssyncadd.s32 s4;
	_ =	sdelay $0x1  }
0xa1: {  	s23 =	simm.s32 $0x1B8B  }
0xa2: {  	_ =	swait.ge [sflag:s23], $0x1  }
0xa3: {  	[sflag:s23] =	ssyncset.done $0x0  }
0xa4: {  	s25 =	simm.s32 $0x1B8E;
	s24 =	sld [smem:$0x3FFE];
	[sflag:s23] =	ssyncadd.s32 $0xFFFFFFFF  }
0xa5: {  	s26 =	simm.s32 $execute0_lowered;
	[smem:$0x3FD2] =	sst s25  }
0xa6: {  	s5 =	sshll.u32 s26, $0x1;
	_ =	strace $0x80000046;
	[dreg:$0x1] =	wrdreg $0xFFFFFFFF  }
0xa7: {  	s28 =	simm.s32 $_size_execute0_lowered;
	s3 =	sadd.s32 s3, s5;
	[dreg:$0x0] =	wrdreg $0x0  }
0xa8: {  	s5 =	sshll.u32 s28, $0x1;
	[dreg:$0x2] =	wrdreg s3  }
0xa9: {  	[dreg:$0x3] =	wrdreg s5  }
0xaa: {  	[dreg:$0x4] =	wrdreg $0xC0  }
0xab: {  	_ =	task [dreg:s7], $0x5FFFF  }
0xac: {  	[dreg:$0x1] =	wrdreg $0xFFFFFFFF  }
0xad: {  	[dreg:$0x0] =	wrdreg $0x60  }
0xae: {  	[dreg:$0x2] =	wrdreg s24  }
0xaf: {  	[dreg:$0x3] =	wrdreg s2  }
0xb0: {  	[dreg:$0x4] =	wrdreg $0x9  }
0xb1: {  	_ =	task.clear_ibuf [dreg:s7], $0x5FFFF;
	_ =	strace $0x90000046  }
0xb2: {  	s29 =	simm.s32 $0x9;
	_ =	strace $0x80000048  }
0xb3: {  	_ =	swait.ge [sflag:s29], $0x1  }
0xb4: {  	[sflag:s29] =	ssyncadd.s32 $0xFFFFFFFF  }
0xb5: {  	_ =	strace $0x90000048  }
0xb6: {  	_ =	sfence  }
0xb7: {  	s30 =	sld [smem:$0x0];
	_ =	sdelay $0x2  }
0xb8: {  	s31 =	sshll.u32 s1, $0xD;
	s1 =	sshrl.u32 s1, $0x2  }
0xb9: {  	s3 =	sand.u32 $0x4000, s31;
	s1 =	sadd.s32 s1, s30  }
0xba: {  	s0 =	sor.u32 s3, s0;
	s1 =	sshll.u32 s1, $0x11  }
0xbb: {  	s0 =	sor.u32 s1, s0  }
0xbc: {  	s0 =	sadd.s32 $0x8F2B, s0  }
0xbd: {  	[sflag:s0] =	ssyncadd.remote.s32 $0x1  }
0xbe: {  	_ =	sfence.sel $0xFFFF  }
0xbf: {  	[dreg:$0x0] =	wrdreg $0xFFFFFFFF;
	(pc) =	sbr.abs _section_cstart, $3  }
0xc0: {  	[dreg:$0x1] =	wrdreg $0xFFFFFFFF  }
0xc1: {  	_ =	task.clear_ibuf [dreg:s7], $0x2FFFF;
	_ =	strace $0x9FFFFFFF  }
0xc2: {  	(tm) =	ssettm $0x7FFFFFFF  }
0xc3: {  	_ =	shalt  }
tec
execute0_lowered:
.L_overlay_start_1:
0x0: {  	(tag) =	ssettag $0x1  }
0x1: {  	s3 =	rddreg [dreg:$0x0]  }
0x2: {  	s6 =	rddreg [dreg:$0x1]  }
0x3: {  	s0 =	rddreg [dreg:$0x2]  }
0x4: {  	s2 =	simm.s32 $0x0;
	s4 =	srdreg.scid;
	s1 =	stileid.u32  }
0x5: {  	s11 =	simm.s32 $0x1;
	[smem:$0x7FF] =	sst s2;
	s4 =	sand.u32 $0x1, s4  }
0x6: {  	s5 =	sshll.u32 s1, $0x1;
	s7 =	sadd.s32 $0x1200, s3;
	s8 =	sadd.s32 $0x3400, s3  }
0x7: {  	s9 =	sadd.s32 $0x2400, s3;
	s10 =	sadd.s32 $0x4400, s3;
	s14 =	sadd.s32 $0x5400, s3  }
0x8: {  	_ =	strace $0x80000047;
	s5 =	sor.u32 s4, s5;
	p1 =	seq.s32 s4, $0x1  }
0x9: {  	s12 =	ssub.s32 $0x2, s4;
	p0 =	seq.s32 s5, $0x0;
	s5 =	sshll.u32 s5, $0x1  }
0xa: {  	s13 =	sshrl.u32 s12, $0x1;
	p0 =	por !p0, !p1;
	s5 =	sadd.s32 s5, s3  }
0xb: {  	s12 =	ssub.s32 s12, s13;
	s3 =	simm.s32 $0x1;
	p0 =	por !p0, !p0  }
0xc: {  	s11 =	simm.s32 @!p0 $0x0;
	p0 =	seq.s32 s4, $0x0;
	s4 =	sadd.s32 $0x2200, s5  }
.Ltmp0:
0xd: {  	s5 =	smax.u32 s12, $0x1;
	s11 =	ssub.s32 s1, s11;
	(pc) =	sbr.rel .LBB2_1-.Ltmp0, $4  }
0xe: {  	s12 =	simm.s32 $0x0;
	s6 =	smov.u32 @p0 s7;
	s11 =	sshll.u32 s11, $0x8  }
0xf: {  	s10 =	smov.u32 @p0 s8;
	s14 =	smov.u32 @p0 s9;
	s11 =	sand.u32 $0x1FFFFF00, s11  }
0x10: {  	s9 =	simm.s32 $0x800;
	s6 =	sadd.s32 s6, s11;
	s7 =	sadd.s32 s10, s11  }
0x11: {  	s8 =	sadd.s32 s14, s11;
	s10 =	simm.s32 $0x1000;
	s11 =	simm.s32 $0x1800  }
.LBB2_9:
0x12: {  	v6 =	vcvt.s32.f32 v6;
	_ =	sdelay $0x1  }
0x13: {  	v6 =	vadd.f32 $5.000000000e-01, v6  }
0x14: {  	v5 =	vmul.f32 v5, v1  }
0x15: {  	v49 =	vmin.f32 v7, v8;
	vm2 =	vgt.f32 v9, $1.192092900e-04;
	v1 =	vmul.f32 v6, v1  }
0x16: {  	vm0 =	vmand vm0, vm1;
	vm10 =	vge.f32 v2, $-5.000000000e-01;
	v5 =	vadd.f32 $-5.000000000e-01, v5  }
0x17: {  	vm11 =	vle.f32 v2, $1.550000000e+01;
	v6 =	vmin.f32 v49, $1.000000000e+00;
	v1 =	vadd.f32 $-5.000000000e-01, v1  }
0x18: {  	v50 =	vadd.f32 $1.000000000e+00, v5;
	v51 =	vsub.f32 $1.600000000e+01, v5;
	vm3 =	vlt.f32 v6, $0.0e+00  }
0x19: {  	vm4 =	vgt.f32 v6, $0.0e+00;
	v52 =	vadd.f32 $1.000000000e+00, v1;
	v10 =	vsub.f32 $1.600000000e+01, v1  }
0x1a: {  	v2 =	vand.u32 $0x7FFFFFFF, v4;
	vm13 =	vmor vm4, vm3;
	v7 =	vmin.f32 v50, v51  }
0x1b: {  	v53 =	vnsel vm13, $0x3F800000, v6;
	v7 =	vmin.f32 v7, $1.000000000e+00;
	v9 =	vmin.f32 v52, v10  }
0x1c: {  	vm14 =	vlt.f32 v7, $0.0e+00;
	vm15 =	vgt.f32 v7, $0.0e+00;
	v54 =	vmin.f32 v9, $1.000000000e+00  }
0x1d: {  	vm1 =	vmor vm15, vm14;
	vm8 =	vlt.f32 v54, $0.0e+00;
	vm5 =	vgt.f32 v54, $0.0e+00  }
0x1e: {  	(erf) = vrcp.f32 v53;
	v55 =	vnsel vm1, $0x3F800000, v7;
	vm9 =	vmor vm5, vm8  }
0x1f: {  	vm0 =	vmand vm0, vm2;
	(erf) = vrcp.f32 v55;
	v56 =	vnsel vm9, $0x3F800000, v54  }
0x20: {  	v57 =	vpop (erf);
	vm12 =	vgt.f32 v2, $1.192092900e-04;
	v2 =	vmul.f32 v3, v0;
	(erf) = vrcp.f32 v56  }
0x21: {  	v58 =	vnsel vm0, $0x0, v57;
	v60 =	vmul.f32 v5, v0;
	v62 =	vand.u32 $0x7FFFFFFF, v7  }
0x22: {  	vm14 =	vge.f32 v3, $-5.000000000e-01;
	vm15 =	vle.f32 v3, $1.550000000e+01;
	v3 =	vand.u32 $0x7FFFFFFF, v6  }
0x23: {  	vm1 =	vmand vm10, vm11;
	vm6 =	vgt.f32 v3, $1.192092900e-04;
	v3 =	vmul.f32 v1, v0  }
0x24: {  	v59 =	vpop (erf);
	[tilespmem:s14+$0x800] =	vst v2;
	vm10 =	vgt.f32 v62, $1.192092900e-04;
	vm11 =	vge.f32 v1, $-5.000000000e-01;
	vm13 =	vmand vm1, vm12  }
0x25: {  	[tilespmem:s16+$0x1000] =	vst v58;
	vm1 =	vmand vm14, vm15;
	vm12 =	vle.f32 v1, $1.550000000e+01;
	v2 =	vnsel vm13, $0x0, v59  }
0x26: {  	[tilespmem:s15+$0x800] =	vst v60;
	vm7 =	vmand vm1, vm6;
	vm8 =	vge.f32 v5, $-5.000000000e-01;
	vm9 =	vle.f32 v5, $1.550000000e+01  }
0x27: {  	v1 =	vand.u32 $0x7FFFFFFF, v54;
	vm13 =	vmand vm11, vm12;
	[tilespmem:s13+$0x1000] =	vst v2;
	vm1 =	vmand vm8, vm9;
	v61 =	vpop (erf)  }
0x28: {  	vm14 =	vgt.f32 v1, $1.192092900e-04;
	[tilespmem:s17+$0x800] =	vst v3;
	vm0 =	vmand vm1, vm10;
	v63 =	vnsel vm7, $0x0, v61;
	v2 =	vpop (erf)  }
0x29: {  	vm15 =	vmand vm13, vm14;
	[tilespmem:s14+$0x1000] =	vst v63;
	v1 =	vnsel vm0, $0x0, v2;
	v2 =	vpop (erf)  }
0x2a: {  	[tilespmem:s15+$0x1000] =	vst v1;
	v1 =	vnsel vm15, $0x0, v2  }
0x2b: {  	[tilespmem:s17+$0x1000] =	vst v1  }
.LBB2_10:
0x2c: {  	[tilespmem:$0x1800] =	vst v0  }
0x2d: {  	[hbm4b:s7+s2] =	stream.linear.scatter [tilespmem:s9], [sflag:$0x1], $0x800, $0x38;
	[tilespmem:$0x1880] =	vst v63  }
0x2e: {  	_ =	swait.ge [sflag:s3], $0x800  }
0x2f: {  	[sflag:s3] =	ssyncset.done $0x0  }
0x30: {  	[sflag:s3] =	ssyncadd.s32 $0xFFFFF800  }
0x31: {  	[hbm4b:s8+s2] =	stream.linear.scatter [tilespmem:s10], [sflag:$0x1], $0x800, $0x38;
	[tilespmem:$0x1880] =	vst v63  }
0x32: {  	s12 =	sadd.s32 $0x1, s12;
	_ =	swait.ge [sflag:s3], $0x800  }
0x33: {  	p0 =	sne.s32 s12, s5;
	[sflag:s3] =	ssyncset.done $0x0  }
.Ltmp1:
0x34: {  	[sflag:s3] =	ssyncadd.s32 $0xFFFFF800;
	(pc) =	sbr.rel @!p0 .LBB2_11-.Ltmp1, $4  }
0x35: {  	[hbm4b:s4+s2] =	stream.linear.scatter [tilespmem:s11], [sflag:$0x1], $0x10, $0x38;
	[tilespmem:$0x1880] =	vst v63  }
0x36: {  	_ =	swait.ge [sflag:s3], $0x10  }
0x37: {  	[sflag:s3] =	ssyncset.done $0x0  }
0x38: {  	[sflag:s3] =	ssyncadd.s32 $0xFFFFFFF0  }
.LBB2_1:
0x39: {  	[tilespmem:s2], [sflag:$0x1] =	stream.linear.gather [hbm4b:s6+s2], $0x800, $0x38;
	[tilespmem:$0x1880] =	vst v63  }
0x3a: {  	_ =	swait.ge [sflag:s3], $0x800  }
0x3b: {  	[sflag:s3] =	ssyncset.done $0x0  }
0x3c: {  	s14 =	simm.s32 $0x0;
	[sflag:s3] =	ssyncadd.s32 $0xFFFFF800  }
0x3d: {  	v0 =	vimm.s32 $0xFFFFFFFF;
	s13 =	simm.s32 $0x40;
	v1 =	vld [tilespmem:s14+$0x0]  }
.LBB2_2:
0x3e: {  	p0 =	sne.s32 s13, $0x1FC0  }
.Ltmp2:
0x3f: {  	_ = 	snop;
	(pc) =	sbr.rel @p0 .LBB2_2-.Ltmp2, $3  }
0x40: {  	_ =	sdelay $0x1  }
0x41: {  	s14 =	sshra.s32 s13, $0x2;
	s13 =	sadd.s32 $0x40, s13;
	vm0 =	vgt.s32 v0, v1  }
0x42: {  	v0 =	vsel vm0, v0, v1;
	v1 =	vld [tilespmem:s14+$0x0]  }
0x43: {  	_ =	sdelay $0x3  }
0x44: {  	vm0 =	vgt.s32 v0, v1  }
0x45: {  	v0 =	vsel vm0, v0, v1  }
0x46: {  	v0 =	vxor.u32 $0x80000000, v0  }
0x47: {  	(xrf0) =	vmax.scan.msk.u32 $0xffff, v0;
	_ =	sdelay $0x5  }
0x48: {  	v0, _, _ =	vpop (xrf0)  }
0x49: {  	(v2sf) =	vpush v0, $0xF;
	_ =	sdelay $0xe  }
0x4a: {  	s13 =	spop (v2sf)  }
0x4b: {  	s13 =	sxor.u32 $0x80000000, s13  }
0x4c: {  	v0 =	vmov s13  }
0x4d: {  	v0 =	vcvt.s32.f32 v0;
	_ =	sdelay $0x1  }
0x4e: {  	v0 =	vadd.f32 $1.000000000e+00, v0;
	_ =	sdelay $0x1  }
0x4f: {  	v0 =	vbroadcast v0, $0x0;
	_ =	sdelay $0x1  }
0x50: {  	(erf) = vrcp.f32 v0;
	_ =	sdelay $0x8  }
0x51: {  	v0 =	vpop (erf)  }
0x52: {  	v1 =	vmul.f32 $1.600000000e+01, v0;
	_ =	sdelay $0x1  }
0x53: {  	v0 =	vmax.f32 v1, $1.000000000e+00  }
0x54: {  	(xrf0) =	vmax.scan.msk.f32 $0xffff, v0;
	_ =	sdelay $0x5  }
0x55: {  	v2, _, _ =	vpop (xrf0)  }
0x56: {  	(v2sf) =	vpush v2, $0xF;
	_ =	sdelay $0xb  }
0x57: {  	(erf) = vrcp.f32 v0;
	_ =	sdelay $0x2  }
0x58: {  	s31 =	spop (v2sf)  }
0x59: {  	p0 =	sle.f32 s31, $1.000000000e+00  }
.Ltmp3:
0x5a: {  	_ = 	snop;
	(pc) =	sbr.rel @p0 .LBB2_7-.Ltmp3, $2  }
0x5b: {  	_ =	sdelay $0x2  }
0x5c: {  	v0 =	vpop (erf)  }
0x5d: {  	s13 =	simm.s32 $0x0  }
0x5e: {  	v13 =	vld [tilespmem:s13+$0x0];
	_ =	sdelay $0x4  }
0x5f: {  	v13 =	vcvt.s32.f32 v13;
	_ =	sdelay $0x1  }
0x60: {  	v13 =	vadd.f32 $5.000000000e-01, v13;
	_ =	sdelay $0x1  }
0x61: {  	v13 =	vmul.f32 v13, v1;
	_ =	sdelay $0x1  }
0x62: {  	v19 =	vadd.f32 $-5.000000000e-01, v13;
	_ =	sdelay $0x1  }
0x63: {  	v16 =	vmul.f32 $0.0e+00, v0;
	v20 =	vmul.f32 v19, v0  }
0x64: {  	v15 =	vmul.f32 $3.000000000e+00, v0;
	v17 =	vadd.f32 v0, v0  }
0x65: {  	v14 =	vmul.f32 $4.000000000e+00, v0;
	v13 =	vsub.f32 v20, v16;
	v18 =	vsub.f32 v20, v0  }
0x66: {  	v12 =	vmul.f32 $5.000000000e+00, v0;
	v11 =	vmul.f32 $6.000000000e+00, v0  }
0x67: {  	v21 =	vsub.f32 v20, v17;
	v13 =	vand.u32 $0x7FFFFFFF, v13;
	v18 =	vand.u32 $0x7FFFFFFF, v18  }
0x68: {  	v10 =	vmul.f32 $7.000000000e+00, v0;
	v13 =	vsub.f32 $1.000000000e+00, v13;
	v18 =	vsub.f32 $1.000000000e+00, v18  }
0x69: {  	v9 =	vmul.f32 $8.000000000e+00, v0;
	v22 =	vsub.f32 v20, v15;
	v21 =	vand.u32 $0x7FFFFFFF, v21  }
0x6a: {  	v21 =	vsub.f32 $1.000000000e+00, v21;
	v13 =	vmax.f32 v13, $0.0e+00;
	v18 =	vmax.f32 v18, $0.0e+00  }
0x6b: {  	v23 =	vsub.f32 v20, v14;
	v13 =	vadd.f32 v18, v13;
	v18 =	vand.u32 $0x7FFFFFFF, v22  }
0x6c: {  	v8 =	vmul.f32 $9.000000000e+00, v0;
	v21 =	vmax.f32 v21, $0.0e+00;
	v18 =	vsub.f32 $1.000000000e+00, v18  }
0x6d: {  	v22 =	vsub.f32 v20, v12;
	v13 =	vadd.f32 v13, v21;
	v21 =	vand.u32 $0x7FFFFFFF, v23  }
0x6e: {  	v7 =	vmul.f32 $1.000000000e+01, v0;
	v18 =	vmax.f32 v18, $0.0e+00;
	v21 =	vsub.f32 $1.000000000e+00, v21  }
0x6f: {  	v13 =	vadd.f32 v13, v18;
	v18 =	vand.u32 $0x7FFFFFFF, v22;
	v22 =	vsub.f32 v20, v11  }
0x70: {  	v6 =	vmul.f32 $1.100000000e+01, v0;
	s14 =	simm.s32 $0x10;
	[tilespmem:s13+$0x800] =	vst v20;
	v21 =	vmax.f32 v21, $0.0e+00;
	v18 =	vsub.f32 $1.000000000e+00, v18  }
0x71: {  	v24 =	vld [tilespmem:s14+$0x0];
	v13 =	vadd.f32 v13, v21;
	v21 =	vand.u32 $0x7FFFFFFF, v22;
	v22 =	vsub.f32 v20, v10  }
0x72: {  	v5 =	vmul.f32 $1.200000000e+01, v0;
	v18 =	vmax.f32 v18, $0.0e+00;
	v21 =	vsub.f32 $1.000000000e+00, v21  }
0x73: {  	v23 =	vsub.f32 v20, v9;
	v13 =	vadd.f32 v13, v18;
	v18 =	vand.u32 $0x7FFFFFFF, v22  }
0x74: {  	v4 =	vmul.f32 $1.300000000e+01, v0;
	v21 =	vmax.f32 v21, $0.0e+00;
	v18 =	vsub.f32 $1.000000000e+00, v18  }
0x75: {  	v22 =	vsub.f32 v20, v8;
	v13 =	vadd.f32 v13, v21;
	v21 =	vand.u32 $0x7FFFFFFF, v23  }
0x76: {  	v23 =	vcvt.s32.f32 v24;
	v18 =	vmax.f32 v18, $0.0e+00;
	v21 =	vsub.f32 $1.000000000e+00, v21  }
0x77: {  	v13 =	vadd.f32 v13, v18;
	v18 =	vand.u32 $0x7FFFFFFF, v22;
	v22 =	vsub.f32 v20, v7  }
0x78: {  	v3 =	vmul.f32 $1.400000000e+01, v0;
	v21 =	vmax.f32 v21, $0.0e+00;
	v18 =	vsub.f32 $1.000000000e+00, v18  }
0x79: {  	v23 =	vadd.f32 $5.000000000e-01, v23;
	v13 =	vadd.f32 v13, v21;
	v21 =	vand.u32 $0x7FFFFFFF, v22  }
0x7a: {  	v22 =	vsub.f32 v20, v6;
	v18 =	vmax.f32 v18, $0.0e+00;
	v21 =	vsub.f32 $1.000000000e+00, v21  }
0x7b: {  	v24 =	vsub.f32 v20, v4;
	v23 =	vmul.f32 v23, v1;
	v13 =	vadd.f32 v13, v18  }
0x7c: {  	v18 =	vand.u32 $0x7FFFFFFF, v22;
	v22 =	vsub.f32 v20, v5;
	v21 =	vmax.f32 v21, $0.0e+00  }
0x7d: {  	v2 =	vmul.f32 $1.500000000e+01, v0;
	v18 =	vsub.f32 $1.000000000e+00, v18;
	v21 =	vadd.f32 v13, v21  }
0x7e: {  	v22 =	vand.u32 $0x7FFFFFFF, v22;
	v13 =	vadd.f32 $-5.000000000e-01, v23;
	v23 =	vand.u32 $0x7FFFFFFF, v24  }
0x7f: {  	v24 =	vsub.f32 v20, v3;
	v18 =	vmax.f32 v18, $0.0e+00;
	v22 =	vsub.f32 $1.000000000e+00, v22  }
0x80: {  	vm0 =	vge.f32 v19, $-5.000000000e-01;
	v20 =	vsub.f32 v20, v2;
	v21 =	vadd.f32 v21, v18  }
0x81: {  	v23 =	vsub.f32 $1.000000000e+00, v23;
	v18 =	vmul.f32 v13, v0;
	v22 =	vmax.f32 v22, $0.0e+00  }
0x82: {  	v20 =	vand.u32 $0x7FFFFFFF, v20;
	v21 =	vadd.f32 v21, v22;
	v22 =	vand.u32 $0x7FFFFFFF, v24  }
0x83: {  	v23 =	vmax.f32 v23, $0.0e+00;
	v20 =	vsub.f32 $1.000000000e+00, v20;
	v22 =	vsub.f32 $1.000000000e+00, v22  }
0x84: {  	vm1 =	vle.f32 v19, $1.550000000e+01;
	v24 =	vsub.f32 v18, v14;
	v21 =	vadd.f32 v21, v23  }
0x85: {  	v25 =	vsub.f32 v18, v0;
	v19 =	vsub.f32 v18, v17;
	v22 =	vmax.f32 v22, $0.0e+00  }
0x86: {  	v23 =	vsub.f32 v18, v16;
	v21 =	vadd.f32 v21, v22  }
0x87: {  	v20 =	vmax.f32 v20, $0.0e+00;
	v25 =	vand.u32 $0x7FFFFFFF, v25;
	v19 =	vand.u32 $0x7FFFFFFF, v19  }
0x88: {  	v19 =	vsub.f32 $1.000000000e+00, v19;
	v23 =	vand.u32 $0x7FFFFFFF, v23;
	v21 =	vadd.f32 v21, v20  }
0x89: {  	v20 =	vsub.f32 $1.000000000e+00, v23;
	v23 =	vsub.f32 $1.000000000e+00, v25  }
0x8a: {  	v22 =	vsub.f32 v18, v15;
	vm2 =	vlt.f32 v21, $0.0e+00;
	vm3 =	vgt.f32 v21, $0.0e+00  }
0x8b: {  	v20 =	vmax.f32 v20, $0.0e+00;
	v23 =	vmax.f32 v23, $0.0e+00;
	vm2 =	vmor vm3, vm2  }
0x8c: {  	v22 =	vand.u32 $0x7FFFFFFF, v22;
	v20 =	vadd.f32 v23, v20;
	v23 =	vnsel vm2, $0x3F800000, v21  }
0x8d: {  	v19 =	vmax.f32 v19, $0.0e+00;
	v22 =	vsub.f32 $1.000000000e+00, v22;
	(erf) = vrcp.f32 v23  }
0x8e: {  	v19 =	vadd.f32 v20, v19;
	v20 =	vand.u32 $0x7FFFFFFF, v24;
	v23 =	vsub.f32 v18, v12  }
0x8f: {  	v22 =	vmax.f32 v22, $0.0e+00;
	v20 =	vsub.f32 $1.000000000e+00, v20  }
0x90: {  	v19 =	vadd.f32 v19, v22;
	v22 =	vand.u32 $0x7FFFFFFF, v23  }
0x91: {  	v24 =	vmax.f32 v20, $0.0e+00;
	v22 =	vsub.f32 $1.000000000e+00, v22  }
0x92: {  	v23 =	vsub.f32 v18, v11;
	v19 =	vadd.f32 v19, v24  }
0x93: {  	v22 =	vmax.f32 v22, $0.0e+00  }
0x94: {  	v23 =	vand.u32 $0x7FFFFFFF, v23;
	v24 =	vsub.f32 v18, v10;
	v19 =	vadd.f32 v19, v22  }
0x95: {  	s15 =	simm.s32 $0x20;
	vm0 =	vmand vm0, vm1;
	[tilespmem:s14+$0x800] =	vst v18;
	v21 =	vand.u32 $0x7FFFFFFF, v21;
	v23 =	vsub.f32 $1.000000000e+00, v23  }
0x96: {  	v25 =	vsub.f32 v18, v9;
	vm1 =	vgt.f32 v21, $1.192092900e-04;
	v21 =	vld [tilespmem:s15+$0x0];
	v22 =	vand.u32 $0x7FFFFFFF, v24  }
0x97: {  	vm0 =	vmand vm0, vm1;
	v23 =	vmax.f32 v23, $0.0e+00;
	v22 =	vsub.f32 $1.000000000e+00, v22  }
0x98: {  	s16 =	simm.s32 $0xC0;
	v20 =	vsub.f32 v18, v8;
	v24 =	vand.u32 $0x7FFFFFFF, v25;
	v23 =	vadd.f32 v19, v23;
	v19 =	vpop (erf)  }
.LBB2_5:
0x99: {  	p0 =	sne.s32 s16, $0x1FC0;
	v22 =	vmax.f32 v22, $0.0e+00;
	v24 =	vsub.f32 $1.000000000e+00, v24;
	v19 =	vnsel vm0, $0x0, v19  }
0x9a: {  	v20 =	vand.u32 $0x7FFFFFFF, v20;
	v22 =	vadd.f32 v23, v22;
	v23 =	vsub.f32 v18, v7;
	[tilespmem:s13+$0x1000] =	vst v19;
	s13 =	smov.u32 s14;
	s14 =	smov.u32 s15  }
0x9b: {  	v20 =	vsub.f32 $1.000000000e+00, v20;
	v19 =	vcvt.s32.f32 v21;
	v21 =	vmax.f32 v24, $0.0e+00  }
0x9c: {  	v21 =	vadd.f32 v22, v21;
	v22 =	vand.u32 $0x7FFFFFFF, v23;
	v23 =	vsub.f32 v18, v6  }
0x9d: {  	v20 =	vmax.f32 v20, $0.0e+00;
	v19 =	vadd.f32 $5.000000000e-01, v19;
	v22 =	vsub.f32 $1.000000000e+00, v22  }
0x9e: {  	v20 =	vadd.f32 v21, v20;
	v21 =	vand.u32 $0x7FFFFFFF, v23;
	v23 =	vsub.f32 v18, v5  }
0x9f: {  	v19 =	vmul.f32 v19, v1;
	v22 =	vmax.f32 v22, $0.0e+00;
	v21 =	vsub.f32 $1.000000000e+00, v21  }
0xa0: {  	v20 =	vadd.f32 v20, v22;
	v22 =	vand.u32 $0x7FFFFFFF, v23;
	v23 =	vsub.f32 v18, v4  }
0xa1: {  	v19 =	vadd.f32 $-5.000000000e-01, v19;
	v21 =	vmax.f32 v21, $0.0e+00;
	v22 =	vsub.f32 $1.000000000e+00, v22  }
0xa2: {  	v20 =	vadd.f32 v20, v21;
	v21 =	vand.u32 $0x7FFFFFFF, v23;
	v23 =	vsub.f32 v18, v3  }
0xa3: {  	v24 =	vmul.f32 v19, v0;
	v22 =	vmax.f32 v22, $0.0e+00;
	v21 =	vsub.f32 $1.000000000e+00, v21  }
0xa4: {  	v20 =	vadd.f32 v20, v22;
	v22 =	vand.u32 $0x7FFFFFFF, v23;
	v23 =	vsub.f32 v18, v2  }
0xa5: {  	vm0 =	vge.f32 v13, $-5.000000000e-01;
	[tilespmem:s14+$0x800] =	vst v24;
	v21 =	vmax.f32 v21, $0.0e+00;
	v22 =	vsub.f32 $1.000000000e+00, v22;
	v18 =	vmovc v24  }
0xa6: {  	v24 =	vsub.f32 v18, v14;
	v20 =	vadd.f32 v20, v21;
	v21 =	vand.u32 $0x7FFFFFFF, v23  }
0xa7: {  	v23 =	vsub.f32 v18, v16;
	v22 =	vmax.f32 v22, $0.0e+00;
	v21 =	vsub.f32 $1.000000000e+00, v21  }
0xa8: {  	vm1 =	vle.f32 v13, $1.550000000e+01;
	v13 =	vmovc v19;
	v25 =	vsub.f32 v18, v0;
	v20 =	vadd.f32 v20, v22  }
0xa9: {  	v19 =	vsub.f32 v18, v17;
	v22 =	vsub.f32 v18, v15;
	v21 =	vmax.f32 v21, $0.0e+00  }
0xaa: {  	v23 =	vand.u32 $0x7FFFFFFF, v23;
	v25 =	vand.u32 $0x7FFFFFFF, v25;
	v26 =	vadd.f32 v20, v21  }
0xab: {  	v19 =	vand.u32 $0x7FFFFFFF, v19;
	v20 =	vsub.f32 $1.000000000e+00, v23;
	v21 =	vsub.f32 $1.000000000e+00, v25  }
0xac: {  	v19 =	vsub.f32 $1.000000000e+00, v19;
	vm2 =	vlt.f32 v26, $0.0e+00;
	vm3 =	vgt.f32 v26, $0.0e+00  }
0xad: {  	v20 =	vmax.f32 v20, $0.0e+00;
	v21 =	vmax.f32 v21, $0.0e+00;
	vm2 =	vmor vm3, vm2  }
0xae: {  	v20 =	vadd.f32 v21, v20;
	v21 =	vand.u32 $0x7FFFFFFF, v22;
	v22 =	vnsel vm2, $0x3F800000, v26  }
0xaf: {  	v19 =	vmax.f32 v19, $0.0e+00;
	v21 =	vsub.f32 $1.000000000e+00, v21;
	(erf) = vrcp.f32 v22  }
0xb0: {  	v19 =	vadd.f32 v20, v19;
	v20 =	vand.u32 $0x7FFFFFFF, v24;
	v22 =	vsub.f32 v18, v12  }
0xb1: {  	vm0 =	vmand vm0, vm1;
	v21 =	vmax.f32 v21, $0.0e+00;
	v20 =	vsub.f32 $1.000000000e+00, v20  }
0xb2: {  	v19 =	vadd.f32 v19, v21;
	v21 =	vand.u32 $0x7FFFFFFF, v22;
	v22 =	vsub.f32 v18, v11  }
0xb3: {  	v23 =	vmax.f32 v20, $0.0e+00;
	v21 =	vsub.f32 $1.000000000e+00, v21;
	v20 =	vsub.f32 v18, v8  }
.Ltmp4:
0xb4: {  	v19 =	vadd.f32 v19, v23;
	v22 =	vand.u32 $0x7FFFFFFF, v22;
	v23 =	vsub.f32 v18, v10;
	(pc) =	sbr.rel @p0 .LBB2_5-.Ltmp4, $4  }
0xb5: {  	s15 =	sshra.s32 s16, $0x2;
	v25 =	vsub.f32 v18, v9;
	v24 =	vmax.f32 v21, $0.0e+00;
	v22 =	vsub.f32 $1.000000000e+00, v22  }
0xb6: {  	v27 =	vadd.f32 v19, v24;
	v23 =	vand.u32 $0x7FFFFFFF, v23;
	v24 =	vand.u32 $0x7FFFFFFF, v26;
	v21 =	vld [tilespmem:s15+$0x0]  }
0xb7: {  	v26 =	vmax.f32 v22, $0.0e+00;
	v22 =	vsub.f32 $1.000000000e+00, v23;
	vm1 =	vgt.f32 v24, $1.192092900e-04  }
0xb8: {  	s16 =	sadd.s32 $0x40, s16;
	v24 =	vand.u32 $0x7FFFFFFF, v25;
	v23 =	vadd.f32 v27, v26;
	vm0 =	vmand vm0, vm1;
	v19 =	vpop (erf)  }
0xb9: {  	_ =	sdelay $0x1  }
0xba: {  	v21 =	vcvt.s32.f32 v21;
	_ =	sdelay $0x1  }
0xbb: {  	v21 =	vadd.f32 $5.000000000e-01, v21  }
0xbc: {  	v22 =	vmax.f32 v22, $0.0e+00;
	v24 =	vsub.f32 $1.000000000e+00, v24;
	v36 =	vsub.f32 v18, v7  }
0xbd: {  	v39 =	vsub.f32 v18, v6;
	v42 =	vsub.f32 v18, v5;
	v1 =	vmul.f32 v21, v1  }
0xbe: {  	v20 =	vand.u32 $0x7FFFFFFF, v20;
	v44 =	vsub.f32 v18, v4;
	v22 =	vadd.f32 v23, v22  }
0xbf: {  	v20 =	vsub.f32 $1.000000000e+00, v20;
	v24 =	vmax.f32 v24, $0.0e+00;
	v1 =	vadd.f32 $-5.000000000e-01, v1  }
0xc0: {  	v45 =	vsub.f32 v18, v3;
	v38 =	vand.u32 $0x7FFFFFFF, v36;
	v37 =	vadd.f32 v22, v24  }
0xc1: {  	v20 =	vmax.f32 v20, $0.0e+00;
	v22 =	vsub.f32 $1.000000000e+00, v38;
	v41 =	vmul.f32 v1, v0  }
0xc2: {  	v51 =	vsub.f32 v18, v2;
	v20 =	vadd.f32 v37, v20  }
0xc3: {  	v22 =	vmax.f32 v22, $0.0e+00;
	v16 =	vsub.f32 v41, v16;
	v43 =	vsub.f32 v41, v0  }
0xc4: {  	v40 =	vand.u32 $0x7FFFFFFF, v39;
	v49 =	vand.u32 $0x7FFFFFFF, v45;
	v20 =	vadd.f32 v20, v22  }
0xc5: {  	v17 =	vsub.f32 v41, v17;
	v16 =	vand.u32 $0x7FFFFFFF, v16;
	v22 =	vand.u32 $0x7FFFFFFF, v43  }
0xc6: {  	v58 =	vand.u32 $0x7FFFFFFF, v51;
	v16 =	vsub.f32 $1.000000000e+00, v16;
	v22 =	vsub.f32 $1.000000000e+00, v22  }
0xc7: {  	v24 =	vand.u32 $0x7FFFFFFF, v42;
	v15 =	vsub.f32 v41, v15;
	v17 =	vand.u32 $0x7FFFFFFF, v17  }
0xc8: {  	v17 =	vsub.f32 $1.000000000e+00, v17;
	v16 =	vmax.f32 v16, $0.0e+00;
	v22 =	vmax.f32 v22, $0.0e+00  }
0xc9: {  	v14 =	vsub.f32 v41, v14;
	v15 =	vand.u32 $0x7FFFFFFF, v15;
	v16 =	vadd.f32 v22, v16  }
0xca: {  	v55 =	vsub.f32 $1.000000000e+00, v49;
	v15 =	vsub.f32 $1.000000000e+00, v15;
	v17 =	vmax.f32 v17, $0.0e+00  }
0xcb: {  	v12 =	vsub.f32 v41, v12;
	v14 =	vand.u32 $0x7FFFFFFF, v14;
	v16 =	vadd.f32 v16, v17  }
0xcc: {  	v24 =	vsub.f32 $1.000000000e+00, v24;
	v14 =	vsub.f32 $1.000000000e+00, v14;
	v15 =	vmax.f32 v15, $0.0e+00  }
0xcd: {  	v11 =	vsub.f32 v41, v11;
	v12 =	vand.u32 $0x7FFFFFFF, v12;
	v15 =	vadd.f32 v16, v15  }
0xce: {  	v59 =	vmax.f32 v55, $0.0e+00;
	v12 =	vsub.f32 $1.000000000e+00, v12;
	v14 =	vmax.f32 v14, $0.0e+00  }
0xcf: {  	v10 =	vsub.f32 v41, v10;
	v11 =	vand.u32 $0x7FFFFFFF, v11;
	v14 =	vadd.f32 v15, v14  }
0xd0: {  	v21 =	vsub.f32 $1.000000000e+00, v40;
	v11 =	vsub.f32 $1.000000000e+00, v11;
	v12 =	vmax.f32 v12, $0.0e+00  }
0xd1: {  	v9 =	vsub.f32 v41, v9;
	v10 =	vand.u32 $0x7FFFFFFF, v10;
	v12 =	vadd.f32 v14, v12  }
0xd2: {  	v46 =	vmax.f32 v24, $0.0e+00;
	v10 =	vsub.f32 $1.000000000e+00, v10;
	v11 =	vmax.f32 v11, $0.0e+00  }
0xd3: {  	v8 =	vsub.f32 v41, v8;
	v9 =	vand.u32 $0x7FFFFFFF, v9;
	v11 =	vadd.f32 v12, v11  }
0xd4: {  	v21 =	vmax.f32 v21, $0.0e+00;
	v9 =	vsub.f32 $1.000000000e+00, v9;
	v10 =	vmax.f32 v10, $0.0e+00  }
0xd5: {  	v50 =	vsub.f32 v41, v7;
	v8 =	vand.u32 $0x7FFFFFFF, v8;
	v10 =	vadd.f32 v11, v10  }
0xd6: {  	v20 =	vadd.f32 v20, v21;
	v8 =	vsub.f32 $1.000000000e+00, v8;
	v9 =	vmax.f32 v9, $0.0e+00  }
0xd7: {  	v52 =	vsub.f32 v41, v6;
	v7 =	vand.u32 $0x7FFFFFFF, v50;
	v9 =	vadd.f32 v10, v9  }
0xd8: {  	v21 =	vand.u32 $0x7FFFFFFF, v44;
	v7 =	vsub.f32 $1.000000000e+00, v7;
	v8 =	vmax.f32 v8, $0.0e+00  }
0xd9: {  	v54 =	vsub.f32 v41, v5;
	v6 =	vand.u32 $0x7FFFFFFF, v52;
	v8 =	vadd.f32 v9, v8  }
0xda: {  	v47 =	vsub.f32 $1.000000000e+00, v21;
	v6 =	vsub.f32 $1.000000000e+00, v6;
	v7 =	vmax.f32 v7, $0.0e+00  }
0xdb: {  	v56 =	vsub.f32 v41, v4;
	v5 =	vand.u32 $0x7FFFFFFF, v54;
	v7 =	vadd.f32 v8, v7  }
0xdc: {  	v48 =	vadd.f32 v20, v46;
	v5 =	vsub.f32 $1.000000000e+00, v5;
	v6 =	vmax.f32 v6, $0.0e+00  }
0xdd: {  	v3 =	vsub.f32 v41, v3;
	v4 =	vand.u32 $0x7FFFFFFF, v56;
	v6 =	vadd.f32 v7, v6  }
0xde: {  	v53 =	vmax.f32 v47, $0.0e+00;
	v4 =	vsub.f32 $1.000000000e+00, v4;
	v5 =	vmax.f32 v5, $0.0e+00  }
0xdf: {  	v2 =	vsub.f32 v41, v2;
	v3 =	vand.u32 $0x7FFFFFFF, v3;
	v5 =	vadd.f32 v6, v5  }
0xe0: {  	v57 =	vadd.f32 v48, v53;
	v3 =	vsub.f32 $1.000000000e+00, v3;
	v4 =	vmax.f32 v4, $0.0e+00  }
0xe1: {  	v2 =	vand.u32 $0x7FFFFFFF, v2;
	v7 =	vsub.f32 $1.000000000e+00, v58;
	v4 =	vadd.f32 v5, v4  }
0xe2: {  	v60 =	vadd.f32 v57, v59;
	v2 =	vsub.f32 $1.000000000e+00, v2;
	v3 =	vmax.f32 v3, $0.0e+00  }
0xe3: {  	v61 =	vmax.f32 v7, $0.0e+00;
	v3 =	vadd.f32 v4, v3  }
0xe4: {  	v2 =	vmax.f32 v2, $0.0e+00;
	v62 =	vadd.f32 v60, v61  }
0xe5: {  	v2 =	vadd.f32 v3, v2  }
0xe6: {  	vm1 =	vlt.f32 v62, $0.0e+00;
	vm2 =	vgt.f32 v62, $0.0e+00  }
0xe7: {  	vm1 =	vmor vm2, vm1;
	vm15 =	vlt.f32 v2, $0.0e+00;
	vm3 =	vgt.f32 v2, $0.0e+00  }
0xe8: {  	v3 =	vnsel vm1, $0x3F800000, v62;
	vm6 =	vmor vm3, vm15  }
0xe9: {  	(erf) = vrcp.f32 v3;
	v3 =	vnsel vm6, $0x3F800000, v2  }
0xea: {  	(erf) = vrcp.f32 v3;
	_ =	sdelay $0x4  }
0xeb: {  	vm7 =	vge.f32 v13, $-5.000000000e-01;
	vm8 =	vle.f32 v13, $1.550000000e+01;
	v63 =	vnsel vm0, $0x0, v19  }
0xec: {  	vm9 =	vmand vm7, vm8;
	vm11 =	vge.f32 v1, $-5.000000000e-01;
	v3 =	vand.u32 $0x7FFFFFFF, v62  }
.Ltmp5:
0xed: {  	vm12 =	vle.f32 v1, $1.550000000e+01;
	v1 =	vand.u32 $0x7FFFFFFF, v2;
	vm10 =	vgt.f32 v3, $1.192092900e-04;
	(pc) =	sbr.rel .LBB2_10-.Ltmp5, $4  }
0xee: {  	[tilespmem:s13+$0x1000] =	vst v63;
	vm13 =	vmand vm11, vm12;
	vm14 =	vgt.f32 v1, $1.192092900e-04;
	vm0 =	vmand vm9, vm10;
	v2 =	vpop (erf)  }
0xef: {  	[tilespmem:s15+$0x800] =	vst v41;
	vm15 =	vmand vm13, vm14;
	v1 =	vnsel vm0, $0x0, v2;
	v2 =	vpop (erf)  }
0xf0: {  	[tilespmem:s14+$0x1000] =	vst v1;
	v1 =	vnsel vm15, $0x0, v2  }
0xf1: {  	[tilespmem:s15+$0x1000] =	vst v1  }
.LBB2_7:
0xf2: {  	s16 =	simm.s32 $0x0  }
0xf3: {  	v2 =	vld [tilespmem:s16+$0x0];
	_ =	sdelay $0x3  }
0xf4: {  	s13 =	simm.s32 $0x10  }
0xf5: {  	v3 =	vld [tilespmem:s13+$0x0];
	v2 =	vcvt.s32.f32 v2;
	_ =	sdelay $0x1  }
0xf6: {  	v2 =	vadd.f32 $5.000000000e-01, v2;
	_ =	sdelay $0x1  }
0xf7: {  	v2 =	vmul.f32 v2, v1  }
0xf8: {  	s14 =	simm.s32 $0x20;
	v3 =	vcvt.s32.f32 v3  }
0xf9: {  	v4 =	vld [tilespmem:s14+$0x0];
	v6 =	vadd.f32 $-5.000000000e-01, v2  }
0xfa: {  	v2 =	vadd.f32 $5.000000000e-01, v3  }
0xfb: {  	v3 =	vadd.f32 $1.000000000e+00, v6;
	v5 =	vsub.f32 $1.600000000e+01, v6;
	_ =	sdelay $0x1  }
0xfc: {  	v2 =	vmul.f32 v2, v1;
	v3 =	vmin.f32 v3, v5  }
0xfd: {  	v4 =	vcvt.s32.f32 v4;
	v7 =	vmul.f32 v6, v0;
	v9 =	vmin.f32 v3, $1.000000000e+00  }
0xfe: {  	v2 =	vadd.f32 $-5.000000000e-01, v2;
	vm0 =	vlt.f32 v9, $0.0e+00;
	vm1 =	vgt.f32 v9, $0.0e+00  }
0xff: {  	s15 =	simm.s32 $0x30;
	v4 =	vadd.f32 $5.000000000e-01, v4;
	[tilespmem:s16+$0x800] =	vst v7;
	vm0 =	vmor vm1, vm0  }
0x100: {  	v3 =	vld [tilespmem:s15+$0x0];
	v5 =	vadd.f32 $1.000000000e+00, v2;
	v7 =	vsub.f32 $1.600000000e+01, v2;
	v8 =	vnsel vm0, $0x3F800000, v9  }
0x101: {  	(erf) = vrcp.f32 v8  }
0x102: {  	v8 =	vmul.f32 v4, v1;
	v4 =	vmin.f32 v5, v7  }
0x103: {  	v7 =	vmul.f32 v2, v0;
	v4 =	vmin.f32 v4, $1.000000000e+00  }
0x104: {  	vm0 =	vlt.f32 v4, $0.0e+00;
	vm1 =	vgt.f32 v4, $0.0e+00  }
0x105: {  	s17 =	simm.s32 $0x40;
	v5 =	vcvt.s32.f32 v3;
	v3 =	vadd.f32 $-5.000000000e-01, v8;
	[tilespmem:s13+$0x800] =	vst v7;
	vm1 =	vmor vm1, vm0  }
0x106: {  	vm0 =	vge.f32 v6, $-5.000000000e-01;
	v10 =	vnsel vm1, $0x3F800000, v4;
	vm1 =	vle.f32 v6, $1.550000000e+01;
	v6 =	vld [tilespmem:s17+$0x0]  }
0x107: {  	v9 =	vand.u32 $0x7FFFFFFF, v9;
	v5 =	vadd.f32 $5.000000000e-01, v5  }
0x108: {  	s18 =	simm.s32 $0x140;
	v7 =	vadd.f32 $1.000000000e+00, v3;
	v8 =	vsub.f32 $1.600000000e+01, v3;
	(erf) = vrcp.f32 v10  }
.LBB2_8:
0x109: {  	p0 =	seq.s32 s18, $0x1FC0;
	v10 =	vmul.f32 v3, v0;
	vm2 =	vgt.f32 v9, $1.192092900e-04;
	vm0 =	vmand vm0, vm1  }
0x10a: {  	v5 =	vmul.f32 v5, v1;
	v7 =	vmin.f32 v7, v8;
	vm0 =	vmand vm0, vm2;
	v8 =	vpop (erf)  }
.Ltmp6:
0x10b: {  	v9 =	vcvt.s32.f32 v6;
	v11 =	vmin.f32 v7, $1.000000000e+00;
	[tilespmem:s14+$0x800] =	vst v10;
	v6 =	vnsel vm0, $0x0, v8;
	(pc) =	sbr.rel @!p0 .LBB2_8-.Ltmp6, $4  }
0x10c: {  	s19 =	sshra.s32 s18, $0x2;
	v8 =	vadd.f32 $-5.000000000e-01, v5;
	vm0 =	vlt.f32 v11, $0.0e+00;
	vm1 =	vgt.f32 v11, $0.0e+00;
	[tilespmem:s16+$0x1000] =	vst v6;
	s16 =	smov.u32 s13;
	s13 =	smov.u32 s14  }
0x10d: {  	v5 =	vadd.f32 $5.000000000e-01, v9;
	vm1 =	vmor vm1, vm0;
	vm0 =	vge.f32 v2, $-5.000000000e-01;
	s14 =	smov.u32 s15;
	s15 =	smov.u32 s17;
	s17 =	smov.u32 s19;
	v6 =	vld [tilespmem:s19+$0x0]  }
0x10e: {  	v7 =	vadd.f32 $1.000000000e+00, v8;
	v9 =	vnsel vm1, $0x3F800000, v11;
	vm1 =	vle.f32 v2, $1.550000000e+01;
	v2 =	vmovc v3;
	v3 =	vmovc v8  }
0x10f: {  	s18 =	sadd.s32 $0x40, s18;
	v8 =	vsub.f32 $1.600000000e+01, v3;
	(erf) = vrcp.f32 v9;
	v9 =	vand.u32 $0x7FFFFFFF, v4;
	v4 =	vmovc v11  }
.Ltmp7:
0x110: {  	_ = 	snop;
	(pc) =	sbr.rel .LBB2_9-.Ltmp7, $1  }
0x111: {  	_ =	sdelay $0x3  }
.LBB2_11:
0x112: {  	_ =	sfence.sel $0x180000  }
0x113: {  	[bflag:$0x0] =	sbarrier.arrive $0xFFFF  }
0x114: {  	p0 =	sne.s32 s1, $0x0;
	_ =	strace $0x90000047  }
0x115: {  	s0 =	sadd.s32 @!p0 $0x100000, s0;
	[bflag:$0x2] =	sbarrier.arrive $0xFFFF  }
0x116: {  	[sflag:s0] =	ssyncadd.tile.s32 @!p0 $0x1;
	_ =	shalt  }
.Lfunc_end2:
_tile_overlayer_lowered:
.L_overlay_start_2:
0x117: {  	(tag) =	ssettag $0x2  }
0x118: {  	s0 =	rddreg [dreg:$0x0];
	s2 =	stileid.u32  }
0x119: {  	s1 =	rddreg [dreg:$0x1];
	p0 =	sne.s32 s2, $0x0  }
0x11a: {  	s3 =	rddreg [dreg:$0x2];
	[bflag:$0x3] =	sbarrier.arrive $0xFFFF;
	s2 =	simm.s32 @!p0 $0x1C01  }
0x11b: {  	[timem:s3], [sflag:s2] =	dma.local @!p0 [hbm:s0], s1  }
0x11c: {  	s0 =	simm.s32 @!p0 $0x1  }
0x11d: {  	_ =	swait.ge @!p0 [sflag:s0], s1  }
0x11e: {  	s1 =	ssub.s32 @!p0 $0x0, s1;
	[sflag:s0] =	ssyncset.done @!p0 $0x0  }
0x11f: {  	[sflag:s0] =	ssyncadd.s32 @!p0 s1  }
0x120: {  	[bflag:$0x3] =	sbarrier.arrive $0xFFFF  }
0x121: {  	_ =	shalt  }

</sc_bundles>
